<compile_context>
chip_gen: v7x
topology: tpu7x:2x2x1
jax: 0.10.2.dev20260603
libtpu: 0.0.44.dev20260713+nightly
codegen_flags: <defaults>
</compile_context>

<pallas_src>
import dataclasses
import functools

import jax
import jax.numpy as jnp
from jax import lax
from jax.experimental import pallas as pl
from jax.experimental.pallas import tpu as pltpu
from jax.experimental.pallas import tpu_sc as plsc

N_NODES = 10000
N_EDGES = 320000
D = 128

NC = 2
NS = 16
NW = NC * NS
CHUNK = 128
NCH0 = 80
NCH1 = 80
EPT0 = CHUNK * NCH0
EPT1 = CHUNK * NCH1
SC0_TOT = NS * EPT0
E_PAD = NS * (EPT0 + EPT1)
RPT = 632
NPAD = NS * RPT



def _linear_body(x_ref, w_ref, b_ref, o_ref):
    o_ref[...] = (
        jnp.dot(x_ref[...], w_ref[...], preferred_element_type=jnp.float32)
        + b_ref[...]
    )


def _linear(x, W, b):
    return pl.pallas_call(
        _linear_body,
        grid=(5,),
        in_specs=[
            pl.BlockSpec((2000, D), lambda i: (i, 0)),
            pl.BlockSpec((D, D), lambda i: (0, 0)),
            pl.BlockSpec((1, D), lambda i: (0, 0)),
        ],
        out_specs=pl.BlockSpec((2000, D), lambda i: (i, 0)),
        out_shape=jax.ShapeDtypeStruct((N_NODES, D), jnp.float32),
    )(x, W, b.reshape(1, D))



def _add_body(a_ref, b_ref, o_ref):
    o_ref[...] = a_ref[...] + b_ref[...]


def _add(a, b):
    return pl.pallas_call(
        _add_body,
        grid=(5,),
        in_specs=[
            pl.BlockSpec((2000, D), lambda i: (i, 0)),
            pl.BlockSpec((2000, D), lambda i: (i, 0)),
        ],
        out_specs=pl.BlockSpec((2000, D), lambda i: (i, 0)),
        out_shape=jax.ShapeDtypeStruct((N_NODES, D), jnp.float32),
    )(a, b)



def _sc_compiler_params():
    cp = pltpu.CompilerParams()
    if "needs_layout_passes" in pltpu.CompilerParams.__dataclass_fields__:
        cp = dataclasses.replace(cp, needs_layout_passes=False)
    return cp


def _spmm_sc(h, src, dst, w):
    mesh = plsc.VectorSubcoreMesh(core_axis_name="c", subcore_axis_name="s")

    @functools.partial(
        pl.kernel,
        compiler_params=_sc_compiler_params(),
        out_type=[
            jax.ShapeDtypeStruct((NPAD, D), jnp.float32),
            jax.ShapeDtypeStruct((NPAD, D), jnp.float32),
        ],
        mesh=mesh,
        scratch_types=[
            pltpu.VMEM((2, CHUNK), jnp.int32),
            pltpu.VMEM((2, CHUNK), jnp.int32),
            pltpu.VMEM((2, CHUNK), jnp.float32),
            pltpu.VMEM((CHUNK, D), jnp.float32),
            pltpu.VMEM((CHUNK, D), jnp.float32),
            pltpu.VMEM_SHARED((NPAD, D), jnp.float32),
            pltpu.SemaphoreType.DMA,
            pltpu.SemaphoreType.DMA,
            pltpu.SemaphoreType.DMA,
            pltpu.SemaphoreType.DMA,
            pltpu.SemaphoreType.DMA,
            pltpu.SemaphoreType.DMA,
        ],
    )
    def k(h_hbm, src_hbm, dst_hbm, w_hbm, out0, out1,
          src_v, dst_v, w_v, rows0, rows1, acc,
          gsem0, gsem1, dwsem0, dwsem1, ssem0, ssem1):
        cid = lax.axis_index("c")
        sid = lax.axis_index("s")
        row0 = sid * RPT

        @pl.loop(0, CHUNK)
        def _(r):
            for j in range(D // 16):
                rows1[r, pl.ds(j * 16, 16)] = jnp.zeros((16,), jnp.float32)

        for kk in range(RPT // CHUNK):
            pltpu.sync_copy(rows1, acc.at[pl.ds(row0 + kk * CHUNK, CHUNK)])
        _rem = RPT % CHUNK
        pltpu.sync_copy(
            rows1.at[pl.ds(0, _rem)],
            acc.at[pl.ds(row0 + (RPT // CHUNK) * CHUNK, _rem)],
        )
        plsc.subcore_barrier()

        rbufs = (rows0, rows1)
        gsems = (gsem0, gsem1)
        dwsems = (dwsem0, dwsem1)
        ssems = (ssem0, ssem1)

        def src_issue(base, ci, b):
            off = base + ci * CHUNK
            pltpu.async_copy(src_hbm.at[pl.ds(off, CHUNK)], src_v.at[b], ssems[b])

        def src_wait(b):
            pltpu.make_async_copy(
                src_hbm.at[pl.ds(0, CHUNK)], src_v.at[b], ssems[b]
            ).wait()

        def dw_issue(base, ci, b):
            off = base + ci * CHUNK
            pltpu.async_copy(dst_hbm.at[pl.ds(off, CHUNK)], dst_v.at[b], dwsems[b])
            pltpu.async_copy(w_hbm.at[pl.ds(off, CHUNK)], w_v.at[b], dwsems[b])

        def dw_wait(b):
            pltpu.make_async_copy(
                dst_hbm.at[pl.ds(0, CHUNK)], dst_v.at[b], dwsems[b]
            ).wait()
            pltpu.make_async_copy(
                w_hbm.at[pl.ds(0, CHUNK)], w_v.at[b], dwsems[b]
            ).wait()

        def g_issue(b):
            pltpu.async_copy(h_hbm.at[src_v.at[b]], rbufs[b], gsems[b])

        def g_wait(b):
            pltpu.make_async_copy(
                h_hbm.at[src_v.at[b]], rbufs[b], gsems[b]
            ).wait()

        def scale_and_scatter(b):
            rows = rbufs[b]

            @pl.loop(0, CHUNK)
            def _(e):
                ws = plsc.load_gather(
                    w_v, [jnp.full((16,), b, jnp.int32),
                          jnp.full((16,), e, jnp.int32)]
                )
                for j in range(D // 16):
                    sl = (e, pl.ds(j * 16, 16))
                    rows[sl] = rows[sl] * ws

            pltpu.sync_copy(rows, acc.at[dst_v.at[b]], add=True)

        def half(base, nch, ci, b):
            g_wait(b)
            @pl.when(ci + 2 < nch)
            def _():
                src_issue(base, ci + 2, b)
            dw_wait(b)
            scale_and_scatter(b)
            @pl.when(ci + 2 < nch)
            def _():
                dw_issue(base, ci + 2, b)
                src_wait(b)
                g_issue(b)

        def run_core(base, nch):
            src_issue(base, 0, 0)
            src_issue(base, 1, 1)
            dw_issue(base, 0, 0)
            dw_issue(base, 1, 1)
            src_wait(0)
            g_issue(0)
            src_wait(1)
            g_issue(1)

            @pl.loop(0, nch, step=2)
            def _(ci):
                half(base, nch, ci, 0)
                half(base, nch, ci + 1, 1)

        @pl.when(cid == 0)
        def _():
            run_core(sid * EPT0, NCH0)

        @pl.when(cid == 1)
        def _():
            run_core(SC0_TOT + sid * EPT1, NCH1)

        plsc.subcore_barrier()

        @pl.when(cid == 0)
        def _():
            pltpu.sync_copy(acc.at[pl.ds(row0, RPT)], out0.at[pl.ds(row0, RPT)])

        @pl.when(cid == 1)
        def _():
            pltpu.sync_copy(acc.at[pl.ds(row0, RPT)], out1.at[pl.ds(row0, RPT)])

    return k(h, src, dst, w)


def kernel(x, edge_index, edge_weight, W_ll, b_ll, W_self, b_self):
    h = _linear(x, W_ll, b_ll)
    pad = E_PAD - N_EDGES
    src = jnp.concatenate(
        [edge_index[0].astype(jnp.int32), jnp.arange(pad, dtype=jnp.int32)]
    )
    dst = jnp.concatenate(
        [edge_index[1].astype(jnp.int32), jnp.arange(pad, dtype=jnp.int32)]
    )
    w = jnp.pad(edge_weight.astype(jnp.float32), (0, pad))
    p0, p1 = _spmm_sc(h, src, dst, w)
    return _add(p0, p1)

# --- scband reference (transcript-rebuilt; emitter-appended) ---
"""Pipeline reference for scband-gcwithself-14250701488882 (READ-ONLY COPY).

The authoritative reference and input builder live on the scoring server;
editing this copy changes nothing except your own understanding.
"""

import jax, jax.numpy as jnp
import numpy as np

N_NODES = 10000
N_EDGES = 320000
D_IN = 128
D_OUT = 128


def setup_inputs(seed: int = 0) -> dict:
    key = jax.random.key(seed)
    k1, k2, k3, k4, k5, k6, k7 = jax.random.split(key, 7)
    x = jax.random.normal(k1, (N_NODES, D_IN), dtype=jnp.float32)
    edge_index = jax.random.randint(k2, (2, N_EDGES), 0, N_NODES)
    edge_weight = jax.random.uniform(k3, (N_EDGES,), dtype=jnp.float32)
    # nn.Linear params (kaiming-uniform-ish init scale 1/sqrt(fan_in))
    bound = 1.0 / np.sqrt(D_IN)
    W_ll = jax.random.uniform(k4, (D_IN, D_OUT), dtype=jnp.float32, minval=-bound, maxval=bound)
    b_ll = jax.random.uniform(k5, (D_OUT,), dtype=jnp.float32, minval=-bound, maxval=bound)
    W_self = jax.random.uniform(k6, (D_IN, D_OUT), dtype=jnp.float32, minval=-bound, maxval=bound)
    b_self = jax.random.uniform(k7, (D_OUT,), dtype=jnp.float32, minval=-bound, maxval=bound)
    return {
        "x": x,
        "edge_index": edge_index,
        "edge_weight": edge_weight,
        "W_ll": W_ll,
        "b_ll": b_ll,
        "W_self": W_self,
        "b_self": b_self,
    }


def reference(x, edge_index, edge_weight, W_ll, b_ll, W_self, b_self):
    # x2 = self.ll_self(x)  (unused downstream because activation is None,
    # but computed faithfully as in the original forward)
    x2 = x @ W_self + b_self
    # x = self.ll(x)
    h = x @ W_ll + b_ll
    # x = torch.spmm(adj, x): adj is sparse COO with indices=edge_index,
    # values=edge_weight. Row i of output = sum_j adj[i,j] * h[j].
    src = edge_index[0]
    dst = edge_index[1]
    msg = h[src] * edge_weight[:, None]          # gather + scale
    out = jax.ops.segment_sum(msg, dst, num_segments=N_NODES)  # scatter-add
    # activation is None and dropout is False -> return spmm result directly
    return out

if __name__ == "__main__":
    import jax
    _d = setup_inputs()
    print(jax.jit(kernel)(*tuple(_d.values())))

</pallas_src>

<mosaic_0001>
#map = affine_map<(d0, d1) -> (0, 0)>
#map1 = affine_map<(d0, d1) -> (0)>
module attributes {stable_mosaic.version = 14 : i64} {
  func.func @k(%arg0: i32, %arg1: i32, %arg2: memref<10000x128xf32, #tpu.memory_space<hbm>>, %arg3: memref<327680xi32, #tpu.memory_space<hbm>>, %arg4: memref<327680xi32, #tpu.memory_space<hbm>>, %arg5: memref<327680xf32, #tpu.memory_space<hbm>>, %arg6: memref<10112x128xf32, #tpu.memory_space<hbm>>, %arg7: memref<10112x128xf32, #tpu.memory_space<hbm>>, %arg8: memref<2x128xi32, #tpu.memory_space<vmem>>, %arg9: memref<2x128xi32, #tpu.memory_space<vmem>>, %arg10: memref<2x128xf32, #tpu.memory_space<vmem>>, %arg11: memref<128x128xf32, #tpu.memory_space<vmem>>, %arg12: memref<128x128xf32, #tpu.memory_space<vmem>>, %arg13: memref<10112x128xf32, #tpu.memory_space<vmem_shared>>, %arg14: memref<!tpu.dma_semaphore, #tpu.memory_space<semaphore_mem>>, %arg15: memref<!tpu.dma_semaphore, #tpu.memory_space<semaphore_mem>>, %arg16: memref<!tpu.dma_semaphore, #tpu.memory_space<semaphore_mem>>, %arg17: memref<!tpu.dma_semaphore, #tpu.memory_space<semaphore_mem>>, %arg18: memref<!tpu.dma_semaphore, #tpu.memory_space<semaphore_mem>>, %arg19: memref<!tpu.dma_semaphore, #tpu.memory_space<semaphore_mem>>) attributes {dimension_semantics = [#tpu.dimension_semantics<core_parallel>, #tpu.dimension_semantics<subcore_parallel>], iteration_bounds = array<i64: 2, 16>, scalar_prefetch = 0 : i64, scratch_operands = 12 : i64, tpu.core_type = #tpu.core_type<sc_vector_subcore>, window_params = [{transform_indices = #map}, {transform_indices = #map1}, {transform_indices = #map1}, {transform_indices = #map1}, {transform_indices = #map}, {transform_indices = #map}]} {
    %mul3A = arith.constant 632 : i32
    %mul3A_0 = arith.muli %arg1, %mul3A : i32
    %scan3A = arith.constant 0 : i32
    %scan3A_1 = arith.constant 128 : i32
    %scan3A_2 = arith.addi %scan3A, %scan3A_1 : i32
    %scan3A_3 = arith.constant 1 : i32
    scf.for %scan3A_32 = %scan3A to %scan3A_2 step %scan3A_3  : i32 {
      %mul3A_33 = arith.constant 1 : i32
      %mul3A_34 = arith.muli %scan3A_32, %mul3A_33 : i32
      %add3A_35 = arith.constant 0 : i32
      %add3A_36 = arith.addi %add3A_35, %mul3A_34 : i32
      %broadcast_in_dim3A = arith.constant 0.000000e+00 : f32
      %broadcast_in_dim3A_37 = vector.broadcast %broadcast_in_dim3A : f32 to vector<16xf32>
      %swap3A = arith.index_cast %add3A_36 : i32 to index
      %swap3A_38 = arith.constant 0 : index
      %swap3A_39 = tpu.vector_load %arg12[%swap3A, %swap3A_38] {strides = array<i32>} : memref<128x128xf32, #tpu.memory_space<vmem>>, vector<16xf32>,
      tpu.vector_store %arg12[%swap3A, %swap3A_38], %broadcast_in_dim3A_37 {strides = array<i32>} : memref<128x128xf32, #tpu.memory_space<vmem>>, vector<16xf32>,
      %broadcast_in_dim3A_40 = arith.constant 0.000000e+00 : f32
      %broadcast_in_dim3A_41 = vector.broadcast %broadcast_in_dim3A_40 : f32 to vector<16xf32>
      %swap3A_42 = arith.index_cast %add3A_36 : i32 to index
      %swap3A_43 = arith.constant 16 : index
      %swap3A_44 = tpu.vector_load %arg12[%swap3A_42, %swap3A_43] {strides = array<i32>} : memref<128x128xf32, #tpu.memory_space<vmem>>, vector<16xf32>,
      tpu.vector_store %arg12[%swap3A_42, %swap3A_43], %broadcast_in_dim3A_41 {strides = array<i32>} : memref<128x128xf32, #tpu.memory_space<vmem>>, vector<16xf32>,
      %broadcast_in_dim3A_45 = arith.constant 0.000000e+00 : f32
      %broadcast_in_dim3A_46 = vector.broadcast %broadcast_in_dim3A_45 : f32 to vector<16xf32>
      %swap3A_47 = arith.index_cast %add3A_36 : i32 to index
      %swap3A_48 = arith.constant 32 : index
      %swap3A_49 = tpu.vector_load %arg12[%swap3A_47, %swap3A_48] {strides = array<i32>} : memref<128x128xf32, #tpu.memory_space<vmem>>, vector<16xf32>,
      tpu.vector_store %arg12[%swap3A_47, %swap3A_48], %broadcast_in_dim3A_46 {strides = array<i32>} : memref<128x128xf32, #tpu.memory_space<vmem>>, vector<16xf32>,
      %broadcast_in_dim3A_50 = arith.constant 0.000000e+00 : f32
      %broadcast_in_dim3A_51 = vector.broadcast %broadcast_in_dim3A_50 : f32 to vector<16xf32>
      %swap3A_52 = arith.index_cast %add3A_36 : i32 to index
      %swap3A_53 = arith.constant 48 : index
      %swap3A_54 = tpu.vector_load %arg12[%swap3A_52, %swap3A_53] {strides = array<i32>} : memref<128x128xf32, #tpu.memory_space<vmem>>, vector<16xf32>,
      tpu.vector_store %arg12[%swap3A_52, %swap3A_53], %broadcast_in_dim3A_51 {strides = array<i32>} : memref<128x128xf32, #tpu.memory_space<vmem>>, vector<16xf32>,
      %broadcast_in_dim3A_55 = arith.constant 0.000000e+00 : f32
      %broadcast_in_dim3A_56 = vector.broadcast %broadcast_in_dim3A_55 : f32 to vector<16xf32>
      %swap3A_57 = arith.index_cast %add3A_36 : i32 to index
      %swap3A_58 = arith.constant 64 : index
      %swap3A_59 = tpu.vector_load %arg12[%swap3A_57, %swap3A_58] {strides = array<i32>} : memref<128x128xf32, #tpu.memory_space<vmem>>, vector<16xf32>,
      tpu.vector_store %arg12[%swap3A_57, %swap3A_58], %broadcast_in_dim3A_56 {strides = array<i32>} : memref<128x128xf32, #tpu.memory_space<vmem>>, vector<16xf32>,
      %broadcast_in_dim3A_60 = arith.constant 0.000000e+00 : f32
      %broadcast_in_dim3A_61 = vector.broadcast %broadcast_in_dim3A_60 : f32 to vector<16xf32>
      %swap3A_62 = arith.index_cast %add3A_36 : i32 to index
      %swap3A_63 = arith.constant 80 : index
      %swap3A_64 = tpu.vector_load %arg12[%swap3A_62, %swap3A_63] {strides = array<i32>} : memref<128x128xf32, #tpu.memory_space<vmem>>, vector<16xf32>,
      tpu.vector_store %arg12[%swap3A_62, %swap3A_63], %broadcast_in_dim3A_61 {strides = array<i32>} : memref<128x128xf32, #tpu.memory_space<vmem>>, vector<16xf32>,
      %broadcast_in_dim3A_65 = arith.constant 0.000000e+00 : f32
      %broadcast_in_dim3A_66 = vector.broadcast %broadcast_in_dim3A_65 : f32 to vector<16xf32>
      %swap3A_67 = arith.index_cast %add3A_36 : i32 to index
      %swap3A_68 = arith.constant 96 : index
      %swap3A_69 = tpu.vector_load %arg12[%swap3A_67, %swap3A_68] {strides = array<i32>} : memref<128x128xf32, #tpu.memory_space<vmem>>, vector<16xf32>,
      tpu.vector_store %arg12[%swap3A_67, %swap3A_68], %broadcast_in_dim3A_66 {strides = array<i32>} : memref<128x128xf32, #tpu.memory_space<vmem>>, vector<16xf32>,
      %broadcast_in_dim3A_70 = arith.constant 0.000000e+00 : f32
      %broadcast_in_dim3A_71 = vector.broadcast %broadcast_in_dim3A_70 : f32 to vector<16xf32>
      %swap3A_72 = arith.index_cast %add3A_36 : i32 to index
      %swap3A_73 = arith.constant 112 : index
      %swap3A_74 = tpu.vector_load %arg12[%swap3A_72, %swap3A_73] {strides = array<i32>} : memref<128x128xf32, #tpu.memory_space<vmem>>, vector<16xf32>,
      tpu.vector_store %arg12[%swap3A_72, %swap3A_73], %broadcast_in_dim3A_71 {strides = array<i32>} : memref<128x128xf32, #tpu.memory_space<vmem>>, vector<16xf32>,
    }
    %scan3A_4 = arith.constant 128 : i32
    %add3A = arith.constant 0 : i32
    %add3A_5 = arith.addi %mul3A_0, %add3A : i32
    "tpu.region"() ({
      %run_scoped3A = tpu.sem_alloc : memref<!tpu.dma_semaphore, #tpu.memory_space<semaphore_mem>>
      %dma_start3A = arith.constant 0 : i32
      %dma_start3A_32 = tpu.memref_slice %arg13[%add3A_5, %dma_start3A] : memref<10112x128xf32, #tpu.memory_space<vmem_shared>> -> memref<128x128xf32, #tpu.memory_space<vmem_shared>>
      %dma_start3A_33 = arith.constant 0 : i32
      %dma_start3A_34 = tpu.memref_slice %arg13[%add3A_5, %dma_start3A_33] : memref<10112x128xf32, #tpu.memory_space<vmem_shared>> -> memref<128x128xf32, #tpu.memory_space<vmem_shared>>
      tpu.enqueue_dma source(%arg12 : memref<128x128xf32, #tpu.memory_space<vmem>>) target(%dma_start3A_34 : memref<128x128xf32, #tpu.memory_space<vmem_shared>>) target_semaphore(%run_scoped3A : memref<!tpu.dma_semaphore, #tpu.memory_space<semaphore_mem>>)
      %dma_wait3A = arith.constant 0 : i32
      %dma_wait3A_35 = tpu.memref_slice %arg13[%add3A_5, %dma_wait3A] : memref<10112x128xf32, #tpu.memory_space<vmem_shared>> -> memref<128x128xf32, #tpu.memory_space<vmem_shared>>
      %dma_wait3A_36 = arith.constant 0 : i32
      %dma_wait3A_37 = tpu.memref_slice %arg13[%add3A_5, %dma_wait3A_36] : memref<10112x128xf32, #tpu.memory_space<vmem_shared>> -> memref<128x128xf32, #tpu.memory_space<vmem_shared>>
      tpu.wait_dma2 semaphore(%run_scoped3A : memref<!tpu.dma_semaphore, #tpu.memory_space<semaphore_mem>>) src(%arg12 : memref<128x128xf32, #tpu.memory_space<vmem>>) dst(%dma_wait3A_37 : memref<128x128xf32, #tpu.memory_space<vmem_shared>>)
      tpu.yield
    }) : () -> ()
    %add3A_6 = arith.constant 128 : i32
    %add3A_7 = arith.addi %mul3A_0, %add3A_6 : i32
    "tpu.region"() ({
      %run_scoped3A = tpu.sem_alloc : memref<!tpu.dma_semaphore, #tpu.memory_space<semaphore_mem>>
      %dma_start3A = arith.constant 0 : i32
      %dma_start3A_32 = tpu.memref_slice %arg13[%add3A_7, %dma_start3A] : memref<10112x128xf32, #tpu.memory_space<vmem_shared>> -> memref<128x128xf32, #tpu.memory_space<vmem_shared>>
      %dma_start3A_33 = arith.constant 0 : i32
      %dma_start3A_34 = tpu.memref_slice %arg13[%add3A_7, %dma_start3A_33] : memref<10112x128xf32, #tpu.memory_space<vmem_shared>> -> memref<128x128xf32, #tpu.memory_space<vmem_shared>>
      tpu.enqueue_dma source(%arg12 : memref<128x128xf32, #tpu.memory_space<vmem>>) target(%dma_start3A_34 : memref<128x128xf32, #tpu.memory_space<vmem_shared>>) target_semaphore(%run_scoped3A : memref<!tpu.dma_semaphore, #tpu.memory_space<semaphore_mem>>)
      %dma_wait3A = arith.constant 0 : i32
      %dma_wait3A_35 = tpu.memref_slice %arg13[%add3A_7, %dma_wait3A] : memref<10112x128xf32, #tpu.memory_space<vmem_shared>> -> memref<128x128xf32, #tpu.memory_space<vmem_shared>>
      %dma_wait3A_36 = arith.constant 0 : i32
      %dma_wait3A_37 = tpu.memref_slice %arg13[%add3A_7, %dma_wait3A_36] : memref<10112x128xf32, #tpu.memory_space<vmem_shared>> -> memref<128x128xf32, #tpu.memory_space<vmem_shared>>
      tpu.wait_dma2 semaphore(%run_scoped3A : memref<!tpu.dma_semaphore, #tpu.memory_space<semaphore_mem>>) src(%arg12 : memref<128x128xf32, #tpu.memory_space<vmem>>) dst(%dma_wait3A_37 : memref<128x128xf32, #tpu.memory_space<vmem_shared>>)
      tpu.yield
    }) : () -> ()
    %add3A_8 = arith.constant 256 : i32
    %add3A_9 = arith.addi %mul3A_0, %add3A_8 : i32
    "tpu.region"() ({
      %run_scoped3A = tpu.sem_alloc : memref<!tpu.dma_semaphore, #tpu.memory_space<semaphore_mem>>
      %dma_start3A = arith.constant 0 : i32
      %dma_start3A_32 = tpu.memref_slice %arg13[%add3A_9, %dma_start3A] : memref<10112x128xf32, #tpu.memory_space<vmem_shared>> -> memref<128x128xf32, #tpu.memory_space<vmem_shared>>
      %dma_start3A_33 = arith.constant 0 : i32
      %dma_start3A_34 = tpu.memref_slice %arg13[%add3A_9, %dma_start3A_33] : memref<10112x128xf32, #tpu.memory_space<vmem_shared>> -> memref<128x128xf32, #tpu.memory_space<vmem_shared>>
      tpu.enqueue_dma source(%arg12 : memref<128x128xf32, #tpu.memory_space<vmem>>) target(%dma_start3A_34 : memref<128x128xf32, #tpu.memory_space<vmem_shared>>) target_semaphore(%run_scoped3A : memref<!tpu.dma_semaphore, #tpu.memory_space<semaphore_mem>>)
      %dma_wait3A = arith.constant 0 : i32
      %dma_wait3A_35 = tpu.memref_slice %arg13[%add3A_9, %dma_wait3A] : memref<10112x128xf32, #tpu.memory_space<vmem_shared>> -> memref<128x128xf32, #tpu.memory_space<vmem_shared>>
      %dma_wait3A_36 = arith.constant 0 : i32
      %dma_wait3A_37 = tpu.memref_slice %arg13[%add3A_9, %dma_wait3A_36] : memref<10112x128xf32, #tpu.memory_space<vmem_shared>> -> memref<128x128xf32, #tpu.memory_space<vmem_shared>>
      tpu.wait_dma2 semaphore(%run_scoped3A : memref<!tpu.dma_semaphore, #tpu.memory_space<semaphore_mem>>) src(%arg12 : memref<128x128xf32, #tpu.memory_space<vmem>>) dst(%dma_wait3A_37 : memref<128x128xf32, #tpu.memory_space<vmem_shared>>)
      tpu.yield
    }) : () -> ()
    %add3A_10 = arith.constant 384 : i32
    %add3A_11 = arith.addi %mul3A_0, %add3A_10 : i32
    "tpu.region"() ({
      %run_scoped3A = tpu.sem_alloc : memref<!tpu.dma_semaphore, #tpu.memory_space<semaphore_mem>>
      %dma_start3A = arith.constant 0 : i32
      %dma_start3A_32 = tpu.memref_slice %arg13[%add3A_11, %dma_start3A] : memref<10112x128xf32, #tpu.memory_space<vmem_shared>> -> memref<128x128xf32, #tpu.memory_space<vmem_shared>>
      %dma_start3A_33 = arith.constant 0 : i32
      %dma_start3A_34 = tpu.memref_slice %arg13[%add3A_11, %dma_start3A_33] : memref<10112x128xf32, #tpu.memory_space<vmem_shared>> -> memref<128x128xf32, #tpu.memory_space<vmem_shared>>
      tpu.enqueue_dma source(%arg12 : memref<128x128xf32, #tpu.memory_space<vmem>>) target(%dma_start3A_34 : memref<128x128xf32, #tpu.memory_space<vmem_shared>>) target_semaphore(%run_scoped3A : memref<!tpu.dma_semaphore, #tpu.memory_space<semaphore_mem>>)
      %dma_wait3A = arith.constant 0 : i32
      %dma_wait3A_35 = tpu.memref_slice %arg13[%add3A_11, %dma_wait3A] : memref<10112x128xf32, #tpu.memory_space<vmem_shared>> -> memref<128x128xf32, #tpu.memory_space<vmem_shared>>
      %dma_wait3A_36 = arith.constant 0 : i32
      %dma_wait3A_37 = tpu.memref_slice %arg13[%add3A_11, %dma_wait3A_36] : memref<10112x128xf32, #tpu.memory_space<vmem_shared>> -> memref<128x128xf32, #tpu.memory_space<vmem_shared>>
      tpu.wait_dma2 semaphore(%run_scoped3A : memref<!tpu.dma_semaphore, #tpu.memory_space<semaphore_mem>>) src(%arg12 : memref<128x128xf32, #tpu.memory_space<vmem>>) dst(%dma_wait3A_37 : memref<128x128xf32, #tpu.memory_space<vmem_shared>>)
      tpu.yield
    }) : () -> ()
    %add3A_12 = arith.constant 512 : i32
    %add3A_13 = arith.addi %mul3A_0, %add3A_12 : i32
    "tpu.region"() ({
      %run_scoped3A = tpu.sem_alloc : memref<!tpu.dma_semaphore, #tpu.memory_space<semaphore_mem>>
      %dma_start3A = arith.constant 0 : i32
      %dma_start3A_32 = arith.constant 0 : i32
      %dma_start3A_33 = tpu.memref_slice %arg12[%dma_start3A, %dma_start3A_32] : memref<128x128xf32, #tpu.memory_space<vmem>> -> memref<120x128xf32, #tpu.memory_space<vmem>>
      %dma_start3A_34 = arith.constant 0 : i32
      %dma_start3A_35 = tpu.memref_slice %arg13[%add3A_13, %dma_start3A_34] : memref<10112x128xf32, #tpu.memory_space<vmem_shared>> -> memref<120x128xf32, #tpu.memory_space<vmem_shared>>
      %dma_start3A_36 = arith.constant 0 : i32
      %dma_start3A_37 = tpu.memref_slice %arg13[%add3A_13, %dma_start3A_36] : memref<10112x128xf32, #tpu.memory_space<vmem_shared>> -> memref<120x128xf32, #tpu.memory_space<vmem_shared>>
      %dma_start3A_38 = arith.constant 0 : i32
      %dma_start3A_39 = arith.constant 0 : i32
      %dma_start3A_40 = tpu.memref_slice %arg12[%dma_start3A_38, %dma_start3A_39] : memref<128x128xf32, #tpu.memory_space<vmem>> -> memref<120x128xf32, #tpu.memory_space<vmem>>
      tpu.enqueue_dma source(%dma_start3A_40 : memref<120x128xf32, #tpu.memory_space<vmem>>) target(%dma_start3A_37 : memref<120x128xf32, #tpu.memory_space<vmem_shared>>) target_semaphore(%run_scoped3A : memref<!tpu.dma_semaphore, #tpu.memory_space<semaphore_mem>>)
      %dma_wait3A = arith.constant 0 : i32
      %dma_wait3A_41 = arith.constant 0 : i32
      %dma_wait3A_42 = tpu.memref_slice %arg12[%dma_wait3A, %dma_wait3A_41] : memref<128x128xf32, #tpu.memory_space<vmem>> -> memref<120x128xf32, #tpu.memory_space<vmem>>
      %dma_wait3A_43 = arith.constant 0 : i32
      %dma_wait3A_44 = tpu.memref_slice %arg13[%add3A_13, %dma_wait3A_43] : memref<10112x128xf32, #tpu.memory_space<vmem_shared>> -> memref<120x128xf32, #tpu.memory_space<vmem_shared>>
      %dma_wait3A_45 = arith.constant 0 : i32
      %dma_wait3A_46 = tpu.memref_slice %arg13[%add3A_13, %dma_wait3A_45] : memref<10112x128xf32, #tpu.memory_space<vmem_shared>> -> memref<120x128xf32, #tpu.memory_space<vmem_shared>>
      %dma_wait3A_47 = arith.constant 0 : i32
      %dma_wait3A_48 = arith.constant 0 : i32
      %dma_wait3A_49 = tpu.memref_slice %arg12[%dma_wait3A_47, %dma_wait3A_48] : memref<128x128xf32, #tpu.memory_space<vmem>> -> memref<120x128xf32, #tpu.memory_space<vmem>>
      tpu.wait_dma2 semaphore(%run_scoped3A : memref<!tpu.dma_semaphore, #tpu.memory_space<semaphore_mem>>) src(%dma_wait3A_49 : memref<120x128xf32, #tpu.memory_space<vmem>>) dst(%dma_wait3A_46 : memref<120x128xf32, #tpu.memory_space<vmem_shared>>)
      tpu.yield
    }) : () -> ()
    %barrier3A = arith.constant 0 : index
    tpu.barrier barrier_id(%barrier3A)
    %eq3A = arith.constant 0 : i32
    %eq3A_14 = arith.cmpi eq, %arg0, %eq3A : i32
    %convert_element_type3A = arith.extui %eq3A_14 : i1 to i32
    %cond3A = arith.constant 0 : i32
    %cond3A_15 = arith.cmpi ne, %convert_element_type3A, %cond3A : i32
    scf.if %cond3A_15 {
      %mul3A_32 = arith.constant 10240 : i32
      %mul3A_33 = arith.muli %arg1, %mul3A_32 : i32
      %add3A_34 = arith.constant 0 : i32
      %add3A_35 = arith.addi %mul3A_33, %add3A_34 : i32
      %dma_start3A = arith.constant 0 : i32
      %dma_start3A_36 = arith.constant 0 : i32
      %dma_start3A_37 = tpu.memref_slice %arg8[%dma_start3A, %dma_start3A_36] : memref<2x128xi32, #tpu.memory_space<vmem>> -> memref<1x128xi32, #tpu.memory_space<vmem>>
      %dma_start3A_38 = tpu.memref_squeeze %dma_start3A_37 : memref<1x128xi32, #tpu.memory_space<vmem>> -> memref<128xi32, #tpu.memory_space<vmem>>
      %dma_start3A_39 = tpu.memref_slice %arg3[%add3A_35] : memref<327680xi32, #tpu.memory_space<hbm>> -> memref<128xi32, #tpu.memory_space<hbm>>
      %dma_start3A_40 = arith.constant 0 : i32
      %dma_start3A_41 = tpu.memref_slice %arg8[%dma_start3A, %dma_start3A_40] : memref<2x128xi32, #tpu.memory_space<vmem>> -> memref<1x128xi32, #tpu.memory_space<vmem>>
      %dma_start3A_42 = tpu.memref_squeeze %dma_start3A_41 : memref<1x128xi32, #tpu.memory_space<vmem>> -> memref<128xi32, #tpu.memory_space<vmem>>
      %dma_start3A_43 = tpu.memref_slice %arg3[%add3A_35] : memref<327680xi32, #tpu.memory_space<hbm>> -> memref<128xi32, #tpu.memory_space<hbm>>
      tpu.enqueue_dma source(%dma_start3A_43 : memref<128xi32, #tpu.memory_space<hbm>>) target(%dma_start3A_42 : memref<128xi32, #tpu.memory_space<vmem>>) target_semaphore(%arg18 : memref<!tpu.dma_semaphore, #tpu.memory_space<semaphore_mem>>)
      %add3A_44 = arith.constant 128 : i32
      %add3A_45 = arith.addi %mul3A_33, %add3A_44 : i32
      %dma_start3A_46 = arith.constant 1 : i32
      %dma_start3A_47 = arith.constant 0 : i32
      %dma_start3A_48 = tpu.memref_slice %arg8[%dma_start3A_46, %dma_start3A_47] : memref<2x128xi32, #tpu.memory_space<vmem>> -> memref<1x128xi32, #tpu.memory_space<vmem>>
      %dma_start3A_49 = tpu.memref_squeeze %dma_start3A_48 : memref<1x128xi32, #tpu.memory_space<vmem>> -> memref<128xi32, #tpu.memory_space<vmem>>
      %dma_start3A_50 = tpu.memref_slice %arg3[%add3A_45] : memref<327680xi32, #tpu.memory_space<hbm>> -> memref<128xi32, #tpu.memory_space<hbm>>
      %dma_start3A_51 = arith.constant 0 : i32
      %dma_start3A_52 = tpu.memref_slice %arg8[%dma_start3A_46, %dma_start3A_51] : memref<2x128xi32, #tpu.memory_space<vmem>> -> memref<1x128xi32, #tpu.memory_space<vmem>>
      %dma_start3A_53 = tpu.memref_squeeze %dma_start3A_52 : memref<1x128xi32, #tpu.memory_space<vmem>> -> memref<128xi32, #tpu.memory_space<vmem>>
      %dma_start3A_54 = tpu.memref_slice %arg3[%add3A_45] : memref<327680xi32, #tpu.memory_space<hbm>> -> memref<128xi32, #tpu.memory_space<hbm>>
      tpu.enqueue_dma source(%dma_start3A_54 : memref<128xi32, #tpu.memory_space<hbm>>) target(%dma_start3A_53 : memref<128xi32, #tpu.memory_space<vmem>>) target_semaphore(%arg19 : memref<!tpu.dma_semaphore, #tpu.memory_space<semaphore_mem>>)
      %add3A_55 = arith.constant 0 : i32
      %add3A_56 = arith.addi %mul3A_33, %add3A_55 : i32
      %dma_start3A_57 = arith.constant 0 : i32
      %dma_start3A_58 = arith.constant 0 : i32
      %dma_start3A_59 = tpu.memref_slice %arg9[%dma_start3A_57, %dma_start3A_58] : memref<2x128xi32, #tpu.memory_space<vmem>> -> memref<1x128xi32, #tpu.memory_space<vmem>>
      %dma_start3A_60 = tpu.memref_squeeze %dma_start3A_59 : memref<1x128xi32, #tpu.memory_space<vmem>> -> memref<128xi32, #tpu.memory_space<vmem>>
      %dma_start3A_61 = tpu.memref_slice %arg4[%add3A_56] : memref<327680xi32, #tpu.memory_space<hbm>> -> memref<128xi32, #tpu.memory_space<hbm>>
      %dma_start3A_62 = arith.constant 0 : i32
      %dma_start3A_63 = tpu.memref_slice %arg9[%dma_start3A_57, %dma_start3A_62] : memref<2x128xi32, #tpu.memory_space<vmem>> -> memref<1x128xi32, #tpu.memory_space<vmem>>
      %dma_start3A_64 = tpu.memref_squeeze %dma_start3A_63 : memref<1x128xi32, #tpu.memory_space<vmem>> -> memref<128xi32, #tpu.memory_space<vmem>>
      %dma_start3A_65 = tpu.memref_slice %arg4[%add3A_56] : memref<327680xi32, #tpu.memory_space<hbm>> -> memref<128xi32, #tpu.memory_space<hbm>>
      tpu.enqueue_dma source(%dma_start3A_65 : memref<128xi32, #tpu.memory_space<hbm>>) target(%dma_start3A_64 : memref<128xi32, #tpu.memory_space<vmem>>) target_semaphore(%arg16 : memref<!tpu.dma_semaphore, #tpu.memory_space<semaphore_mem>>)
      %dma_start3A_66 = arith.constant 0 : i32
      %dma_start3A_67 = arith.constant 0 : i32
      %dma_start3A_68 = tpu.memref_slice %arg10[%dma_start3A_66, %dma_start3A_67] : memref<2x128xf32, #tpu.memory_space<vmem>> -> memref<1x128xf32, #tpu.memory_space<vmem>>
      %dma_start3A_69 = tpu.memref_squeeze %dma_start3A_68 : memref<1x128xf32, #tpu.memory_space<vmem>> -> memref<128xf32, #tpu.memory_space<vmem>>
      %dma_start3A_70 = tpu.memref_slice %arg5[%add3A_56] : memref<327680xf32, #tpu.memory_space<hbm>> -> memref<128xf32, #tpu.memory_space<hbm>>
      %dma_start3A_71 = arith.constant 0 : i32
      %dma_start3A_72 = tpu.memref_slice %arg10[%dma_start3A_66, %dma_start3A_71] : memref<2x128xf32, #tpu.memory_space<vmem>> -> memref<1x128xf32, #tpu.memory_space<vmem>>
      %dma_start3A_73 = tpu.memref_squeeze %dma_start3A_72 : memref<1x128xf32, #tpu.memory_space<vmem>> -> memref<128xf32, #tpu.memory_space<vmem>>
      %dma_start3A_74 = tpu.memref_slice %arg5[%add3A_56] : memref<327680xf32, #tpu.memory_space<hbm>> -> memref<128xf32, #tpu.memory_space<hbm>>
      tpu.enqueue_dma source(%dma_start3A_74 : memref<128xf32, #tpu.memory_space<hbm>>) target(%dma_start3A_73 : memref<128xf32, #tpu.memory_space<vmem>>) target_semaphore(%arg16 : memref<!tpu.dma_semaphore, #tpu.memory_space<semaphore_mem>>)
      %add3A_75 = arith.constant 128 : i32
      %add3A_76 = arith.addi %mul3A_33, %add3A_75 : i32
      %dma_start3A_77 = arith.constant 1 : i32
      %dma_start3A_78 = arith.constant 0 : i32
      %dma_start3A_79 = tpu.memref_slice %arg9[%dma_start3A_77, %dma_start3A_78] : memref<2x128xi32, #tpu.memory_space<vmem>> -> memref<1x128xi32, #tpu.memory_space<vmem>>
      %dma_start3A_80 = tpu.memref_squeeze %dma_start3A_79 : memref<1x128xi32, #tpu.memory_space<vmem>> -> memref<128xi32, #tpu.memory_space<vmem>>
      %dma_start3A_81 = tpu.memref_slice %arg4[%add3A_76] : memref<327680xi32, #tpu.memory_space<hbm>> -> memref<128xi32, #tpu.memory_space<hbm>>
      %dma_start3A_82 = arith.constant 0 : i32
      %dma_start3A_83 = tpu.memref_slice %arg9[%dma_start3A_77, %dma_start3A_82] : memref<2x128xi32, #tpu.memory_space<vmem>> -> memref<1x128xi32, #tpu.memory_space<vmem>>
      %dma_start3A_84 = tpu.memref_squeeze %dma_start3A_83 : memref<1x128xi32, #tpu.memory_space<vmem>> -> memref<128xi32, #tpu.memory_space<vmem>>
      %dma_start3A_85 = tpu.memref_slice %arg4[%add3A_76] : memref<327680xi32, #tpu.memory_space<hbm>> -> memref<128xi32, #tpu.memory_space<hbm>>
      tpu.enqueue_dma source(%dma_start3A_85 : memref<128xi32, #tpu.memory_space<hbm>>) target(%dma_start3A_84 : memref<128xi32, #tpu.memory_space<vmem>>) target_semaphore(%arg17 : memref<!tpu.dma_semaphore, #tpu.memory_space<semaphore_mem>>)
      %dma_start3A_86 = arith.constant 1 : i32
      %dma_start3A_87 = arith.constant 0 : i32
      %dma_start3A_88 = tpu.memref_slice %arg10[%dma_start3A_86, %dma_start3A_87] : memref<2x128xf32, #tpu.memory_space<vmem>> -> memref<1x128xf32, #tpu.memory_space<vmem>>
      %dma_start3A_89 = tpu.memref_squeeze %dma_start3A_88 : memref<1x128xf32, #tpu.memory_space<vmem>> -> memref<128xf32, #tpu.memory_space<vmem>>
      %dma_start3A_90 = tpu.memref_slice %arg5[%add3A_76] : memref<327680xf32, #tpu.memory_space<hbm>> -> memref<128xf32, #tpu.memory_space<hbm>>
      %dma_start3A_91 = arith.constant 0 : i32
      %dma_start3A_92 = tpu.memref_slice %arg10[%dma_start3A_86, %dma_start3A_91] : memref<2x128xf32, #tpu.memory_space<vmem>> -> memref<1x128xf32, #tpu.memory_space<vmem>>
      %dma_start3A_93 = tpu.memref_squeeze %dma_start3A_92 : memref<1x128xf32, #tpu.memory_space<vmem>> -> memref<128xf32, #tpu.memory_space<vmem>>
      %dma_start3A_94 = tpu.memref_slice %arg5[%add3A_76] : memref<327680xf32, #tpu.memory_space<hbm>> -> memref<128xf32, #tpu.memory_space<hbm>>
      tpu.enqueue_dma source(%dma_start3A_94 : memref<128xf32, #tpu.memory_space<hbm>>) target(%dma_start3A_93 : memref<128xf32, #tpu.memory_space<vmem>>) target_semaphore(%arg17 : memref<!tpu.dma_semaphore, #tpu.memory_space<semaphore_mem>>)
      %dma_wait3A = arith.constant 0 : i32
      %dma_wait3A_95 = arith.constant 0 : i32
      %dma_wait3A_96 = tpu.memref_slice %arg8[%dma_wait3A, %dma_wait3A_95] : memref<2x128xi32, #tpu.memory_space<vmem>> -> memref<1x128xi32, #tpu.memory_space<vmem>>
      %dma_wait3A_97 = tpu.memref_squeeze %dma_wait3A_96 : memref<1x128xi32, #tpu.memory_space<vmem>> -> memref<128xi32, #tpu.memory_space<vmem>>
      %dma_wait3A_98 = arith.constant 0 : i32
      %dma_wait3A_99 = tpu.memref_slice %arg3[%dma_wait3A_98] : memref<327680xi32, #tpu.memory_space<hbm>> -> memref<128xi32, #tpu.memory_space<hbm>>
      %dma_wait3A_100 = arith.constant 0 : i32
      %dma_wait3A_101 = tpu.memref_slice %arg8[%dma_wait3A, %dma_wait3A_100] : memref<2x128xi32, #tpu.memory_space<vmem>> -> memref<1x128xi32, #tpu.memory_space<vmem>>
      %dma_wait3A_102 = tpu.memref_squeeze %dma_wait3A_101 : memref<1x128xi32, #tpu.memory_space<vmem>> -> memref<128xi32, #tpu.memory_space<vmem>>
      %dma_wait3A_103 = arith.constant 0 : i32
      %dma_wait3A_104 = tpu.memref_slice %arg3[%dma_wait3A_103] : memref<327680xi32, #tpu.memory_space<hbm>> -> memref<128xi32, #tpu.memory_space<hbm>>
      tpu.wait_dma2 semaphore(%arg18 : memref<!tpu.dma_semaphore, #tpu.memory_space<semaphore_mem>>) src(%dma_wait3A_104 : memref<128xi32, #tpu.memory_space<hbm>>) dst(%dma_wait3A_102 : memref<128xi32, #tpu.memory_space<vmem>>)
      %dma_start3A_105 = arith.constant 0 : i32
      %dma_start3A_106 = arith.constant 0 : i32
      %dma_start3A_107 = tpu.memref_slice %arg8[%dma_start3A_105, %dma_start3A_106] : memref<2x128xi32, #tpu.memory_space<vmem>> -> memref<1x128xi32, #tpu.memory_space<vmem>>
      %dma_start3A_108 = tpu.memref_squeeze %dma_start3A_107 : memref<1x128xi32, #tpu.memory_space<vmem>> -> memref<128xi32, #tpu.memory_space<vmem>>
      %dma_start3A_109 = arith.constant 0 : i32
      %dma_start3A_110 = arith.constant 0 : i32
      %dma_start3A_111 = tpu.memref_slice %arg2[%dma_start3A_109, %dma_start3A_110] : memref<10000x128xf32, #tpu.memory_space<hbm>> -> memref<10000x128xf32, #tpu.memory_space<hbm>>
      tpu.enqueue_indirect_dma source(%dma_start3A_111 : memref<10000x128xf32, #tpu.memory_space<hbm>>) target(%arg11 : memref<128x128xf32, #tpu.memory_space<vmem>>) offsets(%dma_start3A_108 : memref<128xi32, #tpu.memory_space<vmem>>) semaphore(%arg14 : memref<!tpu.dma_semaphore, #tpu.memory_space<semaphore_mem>>)
      %dma_wait3A_112 = arith.constant 1 : i32
      %dma_wait3A_113 = arith.constant 0 : i32
      %dma_wait3A_114 = tpu.memref_slice %arg8[%dma_wait3A_112, %dma_wait3A_113] : memref<2x128xi32, #tpu.memory_space<vmem>> -> memref<1x128xi32, #tpu.memory_space<vmem>>
      %dma_wait3A_115 = tpu.memref_squeeze %dma_wait3A_114 : memref<1x128xi32, #tpu.memory_space<vmem>> -> memref<128xi32, #tpu.memory_space<vmem>>
      %dma_wait3A_116 = arith.constant 0 : i32
      %dma_wait3A_117 = tpu.memref_slice %arg3[%dma_wait3A_116] : memref<327680xi32, #tpu.memory_space<hbm>> -> memref<128xi32, #tpu.memory_space<hbm>>
      %dma_wait3A_118 = arith.constant 0 : i32
      %dma_wait3A_119 = tpu.memref_slice %arg8[%dma_wait3A_112, %dma_wait3A_118] : memref<2x128xi32, #tpu.memory_space<vmem>> -> memref<1x128xi32, #tpu.memory_space<vmem>>
      %dma_wait3A_120 = tpu.memref_squeeze %dma_wait3A_119 : memref<1x128xi32, #tpu.memory_space<vmem>> -> memref<128xi32, #tpu.memory_space<vmem>>
      %dma_wait3A_121 = arith.constant 0 : i32
      %dma_wait3A_122 = tpu.memref_slice %arg3[%dma_wait3A_121] : memref<327680xi32, #tpu.memory_space<hbm>> -> memref<128xi32, #tpu.memory_space<hbm>>
      tpu.wait_dma2 semaphore(%arg19 : memref<!tpu.dma_semaphore, #tpu.memory_space<semaphore_mem>>) src(%dma_wait3A_122 : memref<128xi32, #tpu.memory_space<hbm>>) dst(%dma_wait3A_120 : memref<128xi32, #tpu.memory_space<vmem>>)
      %dma_start3A_123 = arith.constant 1 : i32
      %dma_start3A_124 = arith.constant 0 : i32
      %dma_start3A_125 = tpu.memref_slice %arg8[%dma_start3A_123, %dma_start3A_124] : memref<2x128xi32, #tpu.memory_space<vmem>> -> memref<1x128xi32, #tpu.memory_space<vmem>>
      %dma_start3A_126 = tpu.memref_squeeze %dma_start3A_125 : memref<1x128xi32, #tpu.memory_space<vmem>> -> memref<128xi32, #tpu.memory_space<vmem>>
      %dma_start3A_127 = arith.constant 0 : i32
      %dma_start3A_128 = arith.constant 0 : i32
      %dma_start3A_129 = tpu.memref_slice %arg2[%dma_start3A_127, %dma_start3A_128] : memref<10000x128xf32, #tpu.memory_space<hbm>> -> memref<10000x128xf32, #tpu.memory_space<hbm>>
      tpu.enqueue_indirect_dma source(%dma_start3A_129 : memref<10000x128xf32, #tpu.memory_space<hbm>>) target(%arg12 : memref<128x128xf32, #tpu.memory_space<vmem>>) offsets(%dma_start3A_126 : memref<128xi32, #tpu.memory_space<vmem>>) semaphore(%arg15 : memref<!tpu.dma_semaphore, #tpu.memory_space<semaphore_mem>>)
      %scan3A_130 = arith.constant 0 : i32
      %scan3A_131 = arith.constant 40 : i32
      %scan3A_132 = arith.addi %scan3A_130, %scan3A_131 : i32
      %scan3A_133 = arith.constant 1 : i32
      scf.for %scan3A_135 = %scan3A_130 to %scan3A_132 step %scan3A_133  : i32 {
        %mul3A_136 = arith.constant 2 : i32
        %mul3A_137 = arith.muli %scan3A_135, %mul3A_136 : i32
        %add3A_138 = arith.constant 0 : i32
        %add3A_139 = arith.addi %add3A_138, %mul3A_137 : i32
        %dma_wait3A_140 = arith.constant 0 : i32
        %dma_wait3A_141 = arith.constant 0 : i32
        %dma_wait3A_142 = tpu.memref_slice %arg8[%dma_wait3A_140, %dma_wait3A_141] : memref<2x128xi32, #tpu.memory_space<vmem>> -> memref<1x128xi32, #tpu.memory_space<vmem>>
        %dma_wait3A_143 = tpu.memref_squeeze %dma_wait3A_142 : memref<1x128xi32, #tpu.memory_space<vmem>> -> memref<128xi32, #tpu.memory_space<vmem>>
        %dma_wait3A_144 = arith.constant 0 : i32
        %dma_wait3A_145 = arith.constant 0 : i32
        %dma_wait3A_146 = tpu.memref_slice %arg2[%dma_wait3A_144, %dma_wait3A_145] : memref<10000x128xf32, #tpu.memory_space<hbm>> -> memref<10000x128xf32, #tpu.memory_space<hbm>>
        tpu.wait_indirect_dma semaphore(%arg14 : memref<!tpu.dma_semaphore, #tpu.memory_space<semaphore_mem>>) src(%dma_wait3A_146 : memref<10000x128xf32, #tpu.memory_space<hbm>>) dst(%arg11 : memref<128x128xf32, #tpu.memory_space<vmem>>)
        %add3A_147 = arith.constant 2 : i32
        %add3A_148 = arith.addi %add3A_139, %add3A_147 : i32
        %lt3A = arith.constant 80 : i32
        %lt3A_149 = arith.cmpi slt, %add3A_148, %lt3A : i32
        %convert_element_type3A_150 = arith.extui %lt3A_149 : i1 to i32
        %cond3A_151 = arith.constant 0 : i32
        %cond3A_152 = arith.cmpi ne, %convert_element_type3A_150, %cond3A_151 : i32
        scf.if %cond3A_152 {
          %add3A_238 = arith.constant 2 : i32
          %add3A_239 = arith.addi %add3A_139, %add3A_238 : i32
          %mul3A_240 = arith.constant 128 : i32
          %mul3A_241 = arith.muli %add3A_239, %mul3A_240 : i32
          %add3A_242 = arith.addi %mul3A_33, %mul3A_241 : i32
          %dma_start3A_243 = arith.constant 0 : i32
          %dma_start3A_244 = arith.constant 0 : i32
          %dma_start3A_245 = tpu.memref_slice %arg8[%dma_start3A_243, %dma_start3A_244] : memref<2x128xi32, #tpu.memory_space<vmem>> -> memref<1x128xi32, #tpu.memory_space<vmem>>
          %dma_start3A_246 = tpu.memref_squeeze %dma_start3A_245 : memref<1x128xi32, #tpu.memory_space<vmem>> -> memref<128xi32, #tpu.memory_space<vmem>>
          %dma_start3A_247 = tpu.memref_slice %arg3[%add3A_242] : memref<327680xi32, #tpu.memory_space<hbm>> -> memref<128xi32, #tpu.memory_space<hbm>>
          %dma_start3A_248 = arith.constant 0 : i32
          %dma_start3A_249 = tpu.memref_slice %arg8[%dma_start3A_243, %dma_start3A_248] : memref<2x128xi32, #tpu.memory_space<vmem>> -> memref<1x128xi32, #tpu.memory_space<vmem>>
          %dma_start3A_250 = tpu.memref_squeeze %dma_start3A_249 : memref<1x128xi32, #tpu.memory_space<vmem>> -> memref<128xi32, #tpu.memory_space<vmem>>
          %dma_start3A_251 = tpu.memref_slice %arg3[%add3A_242] : memref<327680xi32, #tpu.memory_space<hbm>> -> memref<128xi32, #tpu.memory_space<hbm>>
          tpu.enqueue_dma source(%dma_start3A_251 : memref<128xi32, #tpu.memory_space<hbm>>) target(%dma_start3A_250 : memref<128xi32, #tpu.memory_space<vmem>>) target_semaphore(%arg18 : memref<!tpu.dma_semaphore, #tpu.memory_space<semaphore_mem>>)
        } else {
        }
        %dma_wait3A_153 = arith.constant 0 : i32
        %dma_wait3A_154 = arith.constant 0 : i32
        %dma_wait3A_155 = tpu.memref_slice %arg9[%dma_wait3A_153, %dma_wait3A_154] : memref<2x128xi32, #tpu.memory_space<vmem>> -> memref<1x128xi32, #tpu.memory_space<vmem>>
        %dma_wait3A_156 = tpu.memref_squeeze %dma_wait3A_155 : memref<1x128xi32, #tpu.memory_space<vmem>> -> memref<128xi32, #tpu.memory_space<vmem>>
        %dma_wait3A_157 = arith.constant 0 : i32
        %dma_wait3A_158 = tpu.memref_slice %arg4[%dma_wait3A_157] : memref<327680xi32, #tpu.memory_space<hbm>> -> memref<128xi32, #tpu.memory_space<hbm>>
        %dma_wait3A_159 = arith.constant 0 : i32
        %dma_wait3A_160 = tpu.memref_slice %arg9[%dma_wait3A_153, %dma_wait3A_159] : memref<2x128xi32, #tpu.memory_space<vmem>> -> memref<1x128xi32, #tpu.memory_space<vmem>>
        %dma_wait3A_161 = tpu.memref_squeeze %dma_wait3A_160 : memref<1x128xi32, #tpu.memory_space<vmem>> -> memref<128xi32, #tpu.memory_space<vmem>>
        %dma_wait3A_162 = arith.constant 0 : i32
        %dma_wait3A_163 = tpu.memref_slice %arg4[%dma_wait3A_162] : memref<327680xi32, #tpu.memory_space<hbm>> -> memref<128xi32, #tpu.memory_space<hbm>>
        tpu.wait_dma2 semaphore(%arg16 : memref<!tpu.dma_semaphore, #tpu.memory_space<semaphore_mem>>) src(%dma_wait3A_163 : memref<128xi32, #tpu.memory_space<hbm>>) dst(%dma_wait3A_161 : memref<128xi32, #tpu.memory_space<vmem>>)
        %dma_wait3A_164 = arith.constant 0 : i32
        %dma_wait3A_165 = arith.constant 0 : i32
        %dma_wait3A_166 = tpu.memref_slice %arg10[%dma_wait3A_164, %dma_wait3A_165] : memref<2x128xf32, #tpu.memory_space<vmem>> -> memref<1x128xf32, #tpu.memory_space<vmem>>
        %dma_wait3A_167 = tpu.memref_squeeze %dma_wait3A_166 : memref<1x128xf32, #tpu.memory_space<vmem>> -> memref<128xf32, #tpu.memory_space<vmem>>
        %dma_wait3A_168 = arith.constant 0 : i32
        %dma_wait3A_169 = tpu.memref_slice %arg5[%dma_wait3A_168] : memref<327680xf32, #tpu.memory_space<hbm>> -> memref<128xf32, #tpu.memory_space<hbm>>
        %dma_wait3A_170 = arith.constant 0 : i32
        %dma_wait3A_171 = tpu.memref_slice %arg10[%dma_wait3A_164, %dma_wait3A_170] : memref<2x128xf32, #tpu.memory_space<vmem>> -> memref<1x128xf32, #tpu.memory_space<vmem>>
        %dma_wait3A_172 = tpu.memref_squeeze %dma_wait3A_171 : memref<1x128xf32, #tpu.memory_space<vmem>> -> memref<128xf32, #tpu.memory_space<vmem>>
        %dma_wait3A_173 = arith.constant 0 : i32
        %dma_wait3A_174 = tpu.memref_slice %arg5[%dma_wait3A_173] : memref<327680xf32, #tpu.memory_space<hbm>> -> memref<128xf32, #tpu.memory_space<hbm>>
        tpu.wait_dma2 semaphore(%arg16 : memref<!tpu.dma_semaphore, #tpu.memory_space<semaphore_mem>>) src(%dma_wait3A_174 : memref<128xf32, #tpu.memory_space<hbm>>) dst(%dma_wait3A_172 : memref<128xf32, #tpu.memory_space<vmem>>)
        %scan3A_175 = arith.constant 0 : i32
        %scan3A_176 = arith.constant 128 : i32
        %scan3A_177 = arith.addi %scan3A_175, %scan3A_176 : i32
        %scan3A_178 = arith.constant 1 : i32
        scf.for %scan3A_238 = %scan3A_175 to %scan3A_177 step %scan3A_178  : i32 {
          %mul3A_239 = arith.constant 1 : i32
          %mul3A_240 = arith.muli %scan3A_238, %mul3A_239 : i32
          %add3A_241 = arith.constant 0 : i32
          %add3A_242 = arith.addi %add3A_241, %mul3A_240 : i32
          %broadcast_in_dim3A = arith.constant 0 : i32
          %broadcast_in_dim3A_243 = vector.broadcast %broadcast_in_dim3A : i32 to vector<16xi32>
          %broadcast_in_dim3A_244 = vector.broadcast %add3A_242 : i32 to vector<16xi32>
          %gather3A = tpu.vector_load_idx %arg10[%broadcast_in_dim3A_243, %broadcast_in_dim3A_244] : memref<2x128xf32, #tpu.memory_space<vmem>>[vector<16xi32>, vector<16xi32>], vector<16xf32>,
          %get3A = arith.index_cast %add3A_242 : i32 to index
          %get3A_245 = arith.constant 0 : index
          %get3A_246 = tpu.vector_load %arg11[%get3A, %get3A_245] {strides = array<i32>} : memref<128x128xf32, #tpu.memory_space<vmem>>, vector<16xf32>,
          %mul3A_247 = arith.mulf %get3A_246, %gather3A : vector<16xf32>
          %swap3A = arith.index_cast %add3A_242 : i32 to index
          %swap3A_248 = arith.constant 0 : index
          %swap3A_249 = tpu.vector_load %arg11[%swap3A, %swap3A_248] {strides = array<i32>} : memref<128x128xf32, #tpu.memory_space<vmem>>, vector<16xf32>,
          tpu.vector_store %arg11[%swap3A, %swap3A_248], %mul3A_247 {strides = array<i32>} : memref<128x128xf32, #tpu.memory_space<vmem>>, vector<16xf32>,
          %get3A_250 = arith.index_cast %add3A_242 : i32 to index
          %get3A_251 = arith.constant 16 : index
          %get3A_252 = tpu.vector_load %arg11[%get3A_250, %get3A_251] {strides = array<i32>} : memref<128x128xf32, #tpu.memory_space<vmem>>, vector<16xf32>,
          %mul3A_253 = arith.mulf %get3A_252, %gather3A : vector<16xf32>
          %swap3A_254 = arith.index_cast %add3A_242 : i32 to index
          %swap3A_255 = arith.constant 16 : index
          %swap3A_256 = tpu.vector_load %arg11[%swap3A_254, %swap3A_255] {strides = array<i32>} : memref<128x128xf32, #tpu.memory_space<vmem>>, vector<16xf32>,
          tpu.vector_store %arg11[%swap3A_254, %swap3A_255], %mul3A_253 {strides = array<i32>} : memref<128x128xf32, #tpu.memory_space<vmem>>, vector<16xf32>,
          %get3A_257 = arith.index_cast %add3A_242 : i32 to index
          %get3A_258 = arith.constant 32 : index
          %get3A_259 = tpu.vector_load %arg11[%get3A_257, %get3A_258] {strides = array<i32>} : memref<128x128xf32, #tpu.memory_space<vmem>>, vector<16xf32>,
          %mul3A_260 = arith.mulf %get3A_259, %gather3A : vector<16xf32>
          %swap3A_261 = arith.index_cast %add3A_242 : i32 to index
          %swap3A_262 = arith.constant 32 : index
          %swap3A_263 = tpu.vector_load %arg11[%swap3A_261, %swap3A_262] {strides = array<i32>} : memref<128x128xf32, #tpu.memory_space<vmem>>, vector<16xf32>,
          tpu.vector_store %arg11[%swap3A_261, %swap3A_262], %mul3A_260 {strides = array<i32>} : memref<128x128xf32, #tpu.memory_space<vmem>>, vector<16xf32>,
          %get3A_264 = arith.index_cast %add3A_242 : i32 to index
          %get3A_265 = arith.constant 48 : index
          %get3A_266 = tpu.vector_load %arg11[%get3A_264, %get3A_265] {strides = array<i32>} : memref<128x128xf32, #tpu.memory_space<vmem>>, vector<16xf32>,
          %mul3A_267 = arith.mulf %get3A_266, %gather3A : vector<16xf32>
          %swap3A_268 = arith.index_cast %add3A_242 : i32 to index
          %swap3A_269 = arith.constant 48 : index
          %swap3A_270 = tpu.vector_load %arg11[%swap3A_268, %swap3A_269] {strides = array<i32>} : memref<128x128xf32, #tpu.memory_space<vmem>>, vector<16xf32>,
          tpu.vector_store %arg11[%swap3A_268, %swap3A_269], %mul3A_267 {strides = array<i32>} : memref<128x128xf32, #tpu.memory_space<vmem>>, vector<16xf32>,
          %get3A_271 = arith.index_cast %add3A_242 : i32 to index
          %get3A_272 = arith.constant 64 : index
          %get3A_273 = tpu.vector_load %arg11[%get3A_271, %get3A_272] {strides = array<i32>} : memref<128x128xf32, #tpu.memory_space<vmem>>, vector<16xf32>,
          %mul3A_274 = arith.mulf %get3A_273, %gather3A : vector<16xf32>
          %swap3A_275 = arith.index_cast %add3A_242 : i32 to index
          %swap3A_276 = arith.constant 64 : index
          %swap3A_277 = tpu.vector_load %arg11[%swap3A_275, %swap3A_276] {strides = array<i32>} : memref<128x128xf32, #tpu.memory_space<vmem>>, vector<16xf32>,
          tpu.vector_store %arg11[%swap3A_275, %swap3A_276], %mul3A_274 {strides = array<i32>} : memref<128x128xf32, #tpu.memory_space<vmem>>, vector<16xf32>,
          %get3A_278 = arith.index_cast %add3A_242 : i32 to index
          %get3A_279 = arith.constant 80 : index
          %get3A_280 = tpu.vector_load %arg11[%get3A_278, %get3A_279] {strides = array<i32>} : memref<128x128xf32, #tpu.memory_space<vmem>>, vector<16xf32>,
          %mul3A_281 = arith.mulf %get3A_280, %gather3A : vector<16xf32>
          %swap3A_282 = arith.index_cast %add3A_242 : i32 to index
          %swap3A_283 = arith.constant 80 : index
          %swap3A_284 = tpu.vector_load %arg11[%swap3A_282, %swap3A_283] {strides = array<i32>} : memref<128x128xf32, #tpu.memory_space<vmem>>, vector<16xf32>,
          tpu.vector_store %arg11[%swap3A_282, %swap3A_283], %mul3A_281 {strides = array<i32>} : memref<128x128xf32, #tpu.memory_space<vmem>>, vector<16xf32>,
          %get3A_285 = arith.index_cast %add3A_242 : i32 to index
          %get3A_286 = arith.constant 96 : index
          %get3A_287 = tpu.vector_load %arg11[%get3A_285, %get3A_286] {strides = array<i32>} : memref<128x128xf32, #tpu.memory_space<vmem>>, vector<16xf32>,
          %mul3A_288 = arith.mulf %get3A_287, %gather3A : vector<16xf32>
          %swap3A_289 = arith.index_cast %add3A_242 : i32 to index
          %swap3A_290 = arith.constant 96 : index
          %swap3A_291 = tpu.vector_load %arg11[%swap3A_289, %swap3A_290] {strides = array<i32>} : memref<128x128xf32, #tpu.memory_space<vmem>>, vector<16xf32>,
          tpu.vector_store %arg11[%swap3A_289, %swap3A_290], %mul3A_288 {strides = array<i32>} : memref<128x128xf32, #tpu.memory_space<vmem>>, vector<16xf32>,
          %get3A_292 = arith.index_cast %add3A_242 : i32 to index
          %get3A_293 = arith.constant 112 : index
          %get3A_294 = tpu.vector_load %arg11[%get3A_292, %get3A_293] {strides = array<i32>} : memref<128x128xf32, #tpu.memory_space<vmem>>, vector<16xf32>,
          %mul3A_295 = arith.mulf %get3A_294, %gather3A : vector<16xf32>
          %swap3A_296 = arith.index_cast %add3A_242 : i32 to index
          %swap3A_297 = arith.constant 112 : index
          %swap3A_298 = tpu.vector_load %arg11[%swap3A_296, %swap3A_297] {strides = array<i32>} : memref<128x128xf32, #tpu.memory_space<vmem>>, vector<16xf32>,
          tpu.vector_store %arg11[%swap3A_296, %swap3A_297], %mul3A_295 {strides = array<i32>} : memref<128x128xf32, #tpu.memory_space<vmem>>, vector<16xf32>,
        }
        %scan3A_179 = arith.constant 128 : i32
        %run_scoped3A = arith.constant 0 : i32
        "tpu.region"() ({
          %run_scoped3A_238 = tpu.sem_alloc : memref<!tpu.dma_semaphore, #tpu.memory_space<semaphore_mem>>
          %dma_start3A_239 = arith.constant 0 : i32
          %dma_start3A_240 = tpu.memref_slice %arg9[%run_scoped3A, %dma_start3A_239] : memref<2x128xi32, #tpu.memory_space<vmem>> -> memref<1x128xi32, #tpu.memory_space<vmem>>
          %dma_start3A_241 = tpu.memref_squeeze %dma_start3A_240 : memref<1x128xi32, #tpu.memory_space<vmem>> -> memref<128xi32, #tpu.memory_space<vmem>>
          %dma_start3A_242 = arith.constant 0 : i32
          %dma_start3A_243 = arith.constant 0 : i32
          %dma_start3A_244 = tpu.memref_slice %arg13[%dma_start3A_242, %dma_start3A_243] : memref<10112x128xf32, #tpu.memory_space<vmem_shared>> -> memref<10112x128xf32, #tpu.memory_space<vmem_shared>>
          tpu.enqueue_indirect_dma source(%arg11 : memref<128x128xf32, #tpu.memory_space<vmem>>) target(%dma_start3A_244 : memref<10112x128xf32, #tpu.memory_space<vmem_shared>>) offsets(%dma_start3A_241 : memref<128xi32, #tpu.memory_space<vmem>>) semaphore(%run_scoped3A_238 : memref<!tpu.dma_semaphore, #tpu.memory_space<semaphore_mem>>) {add = true}
          %dma_wait3A_245 = arith.constant 0 : i32
          %dma_wait3A_246 = tpu.memref_slice %arg9[%run_scoped3A, %dma_wait3A_245] : memref<2x128xi32, #tpu.memory_space<vmem>> -> memref<1x128xi32, #tpu.memory_space<vmem>>
          %dma_wait3A_247 = tpu.memref_squeeze %dma_wait3A_246 : memref<1x128xi32, #tpu.memory_space<vmem>> -> memref<128xi32, #tpu.memory_space<vmem>>
          %dma_wait3A_248 = arith.constant 0 : i32
          %dma_wait3A_249 = arith.constant 0 : i32
          %dma_wait3A_250 = tpu.memref_slice %arg13[%dma_wait3A_248, %dma_wait3A_249] : memref<10112x128xf32, #tpu.memory_space<vmem_shared>> -> memref<10112x128xf32, #tpu.memory_space<vmem_shared>>
          tpu.wait_indirect_dma semaphore(%run_scoped3A_238 : memref<!tpu.dma_semaphore, #tpu.memory_space<semaphore_mem>>) src(%arg11 : memref<128x128xf32, #tpu.memory_space<vmem>>) dst(%dma_wait3A_250 : memref<10112x128xf32, #tpu.memory_space<vmem_shared>>)
          tpu.yield
        }) : () -> ()
        %add3A_180 = arith.constant 2 : i32
        %add3A_181 = arith.addi %add3A_139, %add3A_180 : i32
        %lt3A_182 = arith.constant 80 : i32
        %lt3A_183 = arith.cmpi slt, %add3A_181, %lt3A_182 : i32
        %convert_element_type3A_184 = arith.extui %lt3A_183 : i1 to i32
        %cond3A_185 = arith.constant 0 : i32
        %cond3A_186 = arith.cmpi ne, %convert_element_type3A_184, %cond3A_185 : i32
        scf.if %cond3A_186 {
          %add3A_238 = arith.constant 2 : i32
          %add3A_239 = arith.addi %add3A_139, %add3A_238 : i32
          %mul3A_240 = arith.constant 128 : i32
          %mul3A_241 = arith.muli %add3A_239, %mul3A_240 : i32
          %add3A_242 = arith.addi %mul3A_33, %mul3A_241 : i32
          %dma_start3A_243 = arith.constant 0 : i32
          %dma_start3A_244 = arith.constant 0 : i32
          %dma_start3A_245 = tpu.memref_slice %arg9[%dma_start3A_243, %dma_start3A_244] : memref<2x128xi32, #tpu.memory_space<vmem>> -> memref<1x128xi32, #tpu.memory_space<vmem>>
          %dma_start3A_246 = tpu.memref_squeeze %dma_start3A_245 : memref<1x128xi32, #tpu.memory_space<vmem>> -> memref<128xi32, #tpu.memory_space<vmem>>
          %dma_start3A_247 = tpu.memref_slice %arg4[%add3A_242] : memref<327680xi32, #tpu.memory_space<hbm>> -> memref<128xi32, #tpu.memory_space<hbm>>
          %dma_start3A_248 = arith.constant 0 : i32
          %dma_start3A_249 = tpu.memref_slice %arg9[%dma_start3A_243, %dma_start3A_248] : memref<2x128xi32, #tpu.memory_space<vmem>> -> memref<1x128xi32, #tpu.memory_space<vmem>>
          %dma_start3A_250 = tpu.memref_squeeze %dma_start3A_249 : memref<1x128xi32, #tpu.memory_space<vmem>> -> memref<128xi32, #tpu.memory_space<vmem>>
          %dma_start3A_251 = tpu.memref_slice %arg4[%add3A_242] : memref<327680xi32, #tpu.memory_space<hbm>> -> memref<128xi32, #tpu.memory_space<hbm>>
          tpu.enqueue_dma source(%dma_start3A_251 : memref<128xi32, #tpu.memory_space<hbm>>) target(%dma_start3A_250 : memref<128xi32, #tpu.memory_space<vmem>>) target_semaphore(%arg16 : memref<!tpu.dma_semaphore, #tpu.memory_space<semaphore_mem>>)
          %dma_start3A_252 = arith.constant 0 : i32
          %dma_start3A_253 = arith.constant 0 : i32
          %dma_start3A_254 = tpu.memref_slice %arg10[%dma_start3A_252, %dma_start3A_253] : memref<2x128xf32, #tpu.memory_space<vmem>> -> memref<1x128xf32, #tpu.memory_space<vmem>>
          %dma_start3A_255 = tpu.memref_squeeze %dma_start3A_254 : memref<1x128xf32, #tpu.memory_space<vmem>> -> memref<128xf32, #tpu.memory_space<vmem>>
          %dma_start3A_256 = tpu.memref_slice %arg5[%add3A_242] : memref<327680xf32, #tpu.memory_space<hbm>> -> memref<128xf32, #tpu.memory_space<hbm>>
          %dma_start3A_257 = arith.constant 0 : i32
          %dma_start3A_258 = tpu.memref_slice %arg10[%dma_start3A_252, %dma_start3A_257] : memref<2x128xf32, #tpu.memory_space<vmem>> -> memref<1x128xf32, #tpu.memory_space<vmem>>
          %dma_start3A_259 = tpu.memref_squeeze %dma_start3A_258 : memref<1x128xf32, #tpu.memory_space<vmem>> -> memref<128xf32, #tpu.memory_space<vmem>>
          %dma_start3A_260 = tpu.memref_slice %arg5[%add3A_242] : memref<327680xf32, #tpu.memory_space<hbm>> -> memref<128xf32, #tpu.memory_space<hbm>>
          tpu.enqueue_dma source(%dma_start3A_260 : memref<128xf32, #tpu.memory_space<hbm>>) target(%dma_start3A_259 : memref<128xf32, #tpu.memory_space<vmem>>) target_semaphore(%arg16 : memref<!tpu.dma_semaphore, #tpu.memory_space<semaphore_mem>>)
          %dma_wait3A_261 = arith.constant 0 : i32
          %dma_wait3A_262 = arith.constant 0 : i32
          %dma_wait3A_263 = tpu.memref_slice %arg8[%dma_wait3A_261, %dma_wait3A_262] : memref<2x128xi32, #tpu.memory_space<vmem>> -> memref<1x128xi32, #tpu.memory_space<vmem>>
          %dma_wait3A_264 = tpu.memref_squeeze %dma_wait3A_263 : memref<1x128xi32, #tpu.memory_space<vmem>> -> memref<128xi32, #tpu.memory_space<vmem>>
          %dma_wait3A_265 = arith.constant 0 : i32
          %dma_wait3A_266 = tpu.memref_slice %arg3[%dma_wait3A_265] : memref<327680xi32, #tpu.memory_space<hbm>> -> memref<128xi32, #tpu.memory_space<hbm>>
          %dma_wait3A_267 = arith.constant 0 : i32
          %dma_wait3A_268 = tpu.memref_slice %arg8[%dma_wait3A_261, %dma_wait3A_267] : memref<2x128xi32, #tpu.memory_space<vmem>> -> memref<1x128xi32, #tpu.memory_space<vmem>>
          %dma_wait3A_269 = tpu.memref_squeeze %dma_wait3A_268 : memref<1x128xi32, #tpu.memory_space<vmem>> -> memref<128xi32, #tpu.memory_space<vmem>>
          %dma_wait3A_270 = arith.constant 0 : i32
          %dma_wait3A_271 = tpu.memref_slice %arg3[%dma_wait3A_270] : memref<327680xi32, #tpu.memory_space<hbm>> -> memref<128xi32, #tpu.memory_space<hbm>>
          tpu.wait_dma2 semaphore(%arg18 : memref<!tpu.dma_semaphore, #tpu.memory_space<semaphore_mem>>) src(%dma_wait3A_271 : memref<128xi32, #tpu.memory_space<hbm>>) dst(%dma_wait3A_269 : memref<128xi32, #tpu.memory_space<vmem>>)
          %dma_start3A_272 = arith.constant 0 : i32
          %dma_start3A_273 = arith.constant 0 : i32
          %dma_start3A_274 = tpu.memref_slice %arg8[%dma_start3A_272, %dma_start3A_273] : memref<2x128xi32, #tpu.memory_space<vmem>> -> memref<1x128xi32, #tpu.memory_space<vmem>>
          %dma_start3A_275 = tpu.memref_squeeze %dma_start3A_274 : memref<1x128xi32, #tpu.memory_space<vmem>> -> memref<128xi32, #tpu.memory_space<vmem>>
          %dma_start3A_276 = arith.constant 0 : i32
          %dma_start3A_277 = arith.constant 0 : i32
          %dma_start3A_278 = tpu.memref_slice %arg2[%dma_start3A_276, %dma_start3A_277] : memref<10000x128xf32, #tpu.memory_space<hbm>> -> memref<10000x128xf32, #tpu.memory_space<hbm>>
          tpu.enqueue_indirect_dma source(%dma_start3A_278 : memref<10000x128xf32, #tpu.memory_space<hbm>>) target(%arg11 : memref<128x128xf32, #tpu.memory_space<vmem>>) offsets(%dma_start3A_275 : memref<128xi32, #tpu.memory_space<vmem>>) semaphore(%arg14 : memref<!tpu.dma_semaphore, #tpu.memory_space<semaphore_mem>>)
        } else {
        }
        %add3A_187 = arith.constant 1 : i32
        %add3A_188 = arith.addi %add3A_139, %add3A_187 : i32
        %dma_wait3A_189 = arith.constant 1 : i32
        %dma_wait3A_190 = arith.constant 0 : i32
        %dma_wait3A_191 = tpu.memref_slice %arg8[%dma_wait3A_189, %dma_wait3A_190] : memref<2x128xi32, #tpu.memory_space<vmem>> -> memref<1x128xi32, #tpu.memory_space<vmem>>
        %dma_wait3A_192 = tpu.memref_squeeze %dma_wait3A_191 : memref<1x128xi32, #tpu.memory_space<vmem>> -> memref<128xi32, #tpu.memory_space<vmem>>
        %dma_wait3A_193 = arith.constant 0 : i32
        %dma_wait3A_194 = arith.constant 0 : i32
        %dma_wait3A_195 = tpu.memref_slice %arg2[%dma_wait3A_193, %dma_wait3A_194] : memref<10000x128xf32, #tpu.memory_space<hbm>> -> memref<10000x128xf32, #tpu.memory_space<hbm>>
        tpu.wait_indirect_dma semaphore(%arg15 : memref<!tpu.dma_semaphore, #tpu.memory_space<semaphore_mem>>) src(%dma_wait3A_195 : memref<10000x128xf32, #tpu.memory_space<hbm>>) dst(%arg12 : memref<128x128xf32, #tpu.memory_space<vmem>>)
        %add3A_196 = arith.constant 2 : i32
        %add3A_197 = arith.addi %add3A_188, %add3A_196 : i32
        %lt3A_198 = arith.constant 80 : i32
        %lt3A_199 = arith.cmpi slt, %add3A_197, %lt3A_198 : i32
        %convert_element_type3A_200 = arith.extui %lt3A_199 : i1 to i32
        %cond3A_201 = arith.constant 0 : i32
        %cond3A_202 = arith.cmpi ne, %convert_element_type3A_200, %cond3A_201 : i32
        scf.if %cond3A_202 {
          %add3A_238 = arith.constant 2 : i32
          %add3A_239 = arith.addi %add3A_188, %add3A_238 : i32
          %mul3A_240 = arith.constant 128 : i32
          %mul3A_241 = arith.muli %add3A_239, %mul3A_240 : i32
          %add3A_242 = arith.addi %mul3A_33, %mul3A_241 : i32
          %dma_start3A_243 = arith.constant 1 : i32
          %dma_start3A_244 = arith.constant 0 : i32
          %dma_start3A_245 = tpu.memref_slice %arg8[%dma_start3A_243, %dma_start3A_244] : memref<2x128xi32, #tpu.memory_space<vmem>> -> memref<1x128xi32, #tpu.memory_space<vmem>>
          %dma_start3A_246 = tpu.memref_squeeze %dma_start3A_245 : memref<1x128xi32, #tpu.memory_space<vmem>> -> memref<128xi32, #tpu.memory_space<vmem>>
          %dma_start3A_247 = tpu.memref_slice %arg3[%add3A_242] : memref<327680xi32, #tpu.memory_space<hbm>> -> memref<128xi32, #tpu.memory_space<hbm>>
          %dma_start3A_248 = arith.constant 0 : i32
          %dma_start3A_249 = tpu.memref_slice %arg8[%dma_start3A_243, %dma_start3A_248] : memref<2x128xi32, #tpu.memory_space<vmem>> -> memref<1x128xi32, #tpu.memory_space<vmem>>
          %dma_start3A_250 = tpu.memref_squeeze %dma_start3A_249 : memref<1x128xi32, #tpu.memory_space<vmem>> -> memref<128xi32, #tpu.memory_space<vmem>>
          %dma_start3A_251 = tpu.memref_slice %arg3[%add3A_242] : memref<327680xi32, #tpu.memory_space<hbm>> -> memref<128xi32, #tpu.memory_space<hbm>>
          tpu.enqueue_dma source(%dma_start3A_251 : memref<128xi32, #tpu.memory_space<hbm>>) target(%dma_start3A_250 : memref<128xi32, #tpu.memory_space<vmem>>) target_semaphore(%arg19 : memref<!tpu.dma_semaphore, #tpu.memory_space<semaphore_mem>>)
        } else {
        }
        %dma_wait3A_203 = arith.constant 1 : i32
        %dma_wait3A_204 = arith.constant 0 : i32
        %dma_wait3A_205 = tpu.memref_slice %arg9[%dma_wait3A_203, %dma_wait3A_204] : memref<2x128xi32, #tpu.memory_space<vmem>> -> memref<1x128xi32, #tpu.memory_space<vmem>>
        %dma_wait3A_206 = tpu.memref_squeeze %dma_wait3A_205 : memref<1x128xi32, #tpu.memory_space<vmem>> -> memref<128xi32, #tpu.memory_space<vmem>>
        %dma_wait3A_207 = arith.constant 0 : i32
        %dma_wait3A_208 = tpu.memref_slice %arg4[%dma_wait3A_207] : memref<327680xi32, #tpu.memory_space<hbm>> -> memref<128xi32, #tpu.memory_space<hbm>>
        %dma_wait3A_209 = arith.constant 0 : i32
        %dma_wait3A_210 = tpu.memref_slice %arg9[%dma_wait3A_203, %dma_wait3A_209] : memref<2x128xi32, #tpu.memory_space<vmem>> -> memref<1x128xi32, #tpu.memory_space<vmem>>
        %dma_wait3A_211 = tpu.memref_squeeze %dma_wait3A_210 : memref<1x128xi32, #tpu.memory_space<vmem>> -> memref<128xi32, #tpu.memory_space<vmem>>
        %dma_wait3A_212 = arith.constant 0 : i32
        %dma_wait3A_213 = tpu.memref_slice %arg4[%dma_wait3A_212] : memref<327680xi32, #tpu.memory_space<hbm>> -> memref<128xi32, #tpu.memory_space<hbm>>
        tpu.wait_dma2 semaphore(%arg17 : memref<!tpu.dma_semaphore, #tpu.memory_space<semaphore_mem>>) src(%dma_wait3A_213 : memref<128xi32, #tpu.memory_space<hbm>>) dst(%dma_wait3A_211 : memref<128xi32, #tpu.memory_space<vmem>>)
        %dma_wait3A_214 = arith.constant 1 : i32
        %dma_wait3A_215 = arith.constant 0 : i32
        %dma_wait3A_216 = tpu.memref_slice %arg10[%dma_wait3A_214, %dma_wait3A_215] : memref<2x128xf32, #tpu.memory_space<vmem>> -> memref<1x128xf32, #tpu.memory_space<vmem>>
        %dma_wait3A_217 = tpu.memref_squeeze %dma_wait3A_216 : memref<1x128xf32, #tpu.memory_space<vmem>> -> memref<128xf32, #tpu.memory_space<vmem>>
        %dma_wait3A_218 = arith.constant 0 : i32
        %dma_wait3A_219 = tpu.memref_slice %arg5[%dma_wait3A_218] : memref<327680xf32, #tpu.memory_space<hbm>> -> memref<128xf32, #tpu.memory_space<hbm>>
        %dma_wait3A_220 = arith.constant 0 : i32
        %dma_wait3A_221 = tpu.memref_slice %arg10[%dma_wait3A_214, %dma_wait3A_220] : memref<2x128xf32, #tpu.memory_space<vmem>> -> memref<1x128xf32, #tpu.memory_space<vmem>>
        %dma_wait3A_222 = tpu.memref_squeeze %dma_wait3A_221 : memref<1x128xf32, #tpu.memory_space<vmem>> -> memref<128xf32, #tpu.memory_space<vmem>>
        %dma_wait3A_223 = arith.constant 0 : i32
        %dma_wait3A_224 = tpu.memref_slice %arg5[%dma_wait3A_223] : memref<327680xf32, #tpu.memory_space<hbm>> -> memref<128xf32, #tpu.memory_space<hbm>>
        tpu.wait_dma2 semaphore(%arg17 : memref<!tpu.dma_semaphore, #tpu.memory_space<semaphore_mem>>) src(%dma_wait3A_224 : memref<128xf32, #tpu.memory_space<hbm>>) dst(%dma_wait3A_222 : memref<128xf32, #tpu.memory_space<vmem>>)
        %scan3A_225 = arith.constant 0 : i32
        %scan3A_226 = arith.constant 128 : i32
        %scan3A_227 = arith.addi %scan3A_225, %scan3A_226 : i32
        %scan3A_228 = arith.constant 1 : i32
        scf.for %scan3A_238 = %scan3A_225 to %scan3A_227 step %scan3A_228  : i32 {
          %mul3A_239 = arith.constant 1 : i32
          %mul3A_240 = arith.muli %scan3A_238, %mul3A_239 : i32
          %add3A_241 = arith.constant 0 : i32
          %add3A_242 = arith.addi %add3A_241, %mul3A_240 : i32
          %broadcast_in_dim3A = arith.constant 1 : i32
          %broadcast_in_dim3A_243 = vector.broadcast %broadcast_in_dim3A : i32 to vector<16xi32>
          %broadcast_in_dim3A_244 = vector.broadcast %add3A_242 : i32 to vector<16xi32>
          %gather3A = tpu.vector_load_idx %arg10[%broadcast_in_dim3A_243, %broadcast_in_dim3A_244] : memref<2x128xf32, #tpu.memory_space<vmem>>[vector<16xi32>, vector<16xi32>], vector<16xf32>,
          %get3A = arith.index_cast %add3A_242 : i32 to index
          %get3A_245 = arith.constant 0 : index
          %get3A_246 = tpu.vector_load %arg12[%get3A, %get3A_245] {strides = array<i32>} : memref<128x128xf32, #tpu.memory_space<vmem>>, vector<16xf32>,
          %mul3A_247 = arith.mulf %get3A_246, %gather3A : vector<16xf32>
          %swap3A = arith.index_cast %add3A_242 : i32 to index
          %swap3A_248 = arith.constant 0 : index
          %swap3A_249 = tpu.vector_load %arg12[%swap3A, %swap3A_248] {strides = array<i32>} : memref<128x128xf32, #tpu.memory_space<vmem>>, vector<16xf32>,
          tpu.vector_store %arg12[%swap3A, %swap3A_248], %mul3A_247 {strides = array<i32>} : memref<128x128xf32, #tpu.memory_space<vmem>>, vector<16xf32>,
          %get3A_250 = arith.index_cast %add3A_242 : i32 to index
          %get3A_251 = arith.constant 16 : index
          %get3A_252 = tpu.vector_load %arg12[%get3A_250, %get3A_251] {strides = array<i32>} : memref<128x128xf32, #tpu.memory_space<vmem>>, vector<16xf32>,
          %mul3A_253 = arith.mulf %get3A_252, %gather3A : vector<16xf32>
          %swap3A_254 = arith.index_cast %add3A_242 : i32 to index
          %swap3A_255 = arith.constant 16 : index
          %swap3A_256 = tpu.vector_load %arg12[%swap3A_254, %swap3A_255] {strides = array<i32>} : memref<128x128xf32, #tpu.memory_space<vmem>>, vector<16xf32>,
          tpu.vector_store %arg12[%swap3A_254, %swap3A_255], %mul3A_253 {strides = array<i32>} : memref<128x128xf32, #tpu.memory_space<vmem>>, vector<16xf32>,
          %get3A_257 = arith.index_cast %add3A_242 : i32 to index
          %get3A_258 = arith.constant 32 : index
          %get3A_259 = tpu.vector_load %arg12[%get3A_257, %get3A_258] {strides = array<i32>} : memref<128x128xf32, #tpu.memory_space<vmem>>, vector<16xf32>,
          %mul3A_260 = arith.mulf %get3A_259, %gather3A : vector<16xf32>
          %swap3A_261 = arith.index_cast %add3A_242 : i32 to index
          %swap3A_262 = arith.constant 32 : index
          %swap3A_263 = tpu.vector_load %arg12[%swap3A_261, %swap3A_262] {strides = array<i32>} : memref<128x128xf32, #tpu.memory_space<vmem>>, vector<16xf32>,
          tpu.vector_store %arg12[%swap3A_261, %swap3A_262], %mul3A_260 {strides = array<i32>} : memref<128x128xf32, #tpu.memory_space<vmem>>, vector<16xf32>,
          %get3A_264 = arith.index_cast %add3A_242 : i32 to index
          %get3A_265 = arith.constant 48 : index
          %get3A_266 = tpu.vector_load %arg12[%get3A_264, %get3A_265] {strides = array<i32>} : memref<128x128xf32, #tpu.memory_space<vmem>>, vector<16xf32>,
          %mul3A_267 = arith.mulf %get3A_266, %gather3A : vector<16xf32>
          %swap3A_268 = arith.index_cast %add3A_242 : i32 to index
          %swap3A_269 = arith.constant 48 : index
          %swap3A_270 = tpu.vector_load %arg12[%swap3A_268, %swap3A_269] {strides = array<i32>} : memref<128x128xf32, #tpu.memory_space<vmem>>, vector<16xf32>,
          tpu.vector_store %arg12[%swap3A_268, %swap3A_269], %mul3A_267 {strides = array<i32>} : memref<128x128xf32, #tpu.memory_space<vmem>>, vector<16xf32>,
          %get3A_271 = arith.index_cast %add3A_242 : i32 to index
          %get3A_272 = arith.constant 64 : index
          %get3A_273 = tpu.vector_load %arg12[%get3A_271, %get3A_272] {strides = array<i32>} : memref<128x128xf32, #tpu.memory_space<vmem>>, vector<16xf32>,
          %mul3A_274 = arith.mulf %get3A_273, %gather3A : vector<16xf32>
          %swap3A_275 = arith.index_cast %add3A_242 : i32 to index
          %swap3A_276 = arith.constant 64 : index
          %swap3A_277 = tpu.vector_load %arg12[%swap3A_275, %swap3A_276] {strides = array<i32>} : memref<128x128xf32, #tpu.memory_space<vmem>>, vector<16xf32>,
          tpu.vector_store %arg12[%swap3A_275, %swap3A_276], %mul3A_274 {strides = array<i32>} : memref<128x128xf32, #tpu.memory_space<vmem>>, vector<16xf32>,
          %get3A_278 = arith.index_cast %add3A_242 : i32 to index
          %get3A_279 = arith.constant 80 : index
          %get3A_280 = tpu.vector_load %arg12[%get3A_278, %get3A_279] {strides = array<i32>} : memref<128x128xf32, #tpu.memory_space<vmem>>, vector<16xf32>,
          %mul3A_281 = arith.mulf %get3A_280, %gather3A : vector<16xf32>
          %swap3A_282 = arith.index_cast %add3A_242 : i32 to index
          %swap3A_283 = arith.constant 80 : index
          %swap3A_284 = tpu.vector_load %arg12[%swap3A_282, %swap3A_283] {strides = array<i32>} : memref<128x128xf32, #tpu.memory_space<vmem>>, vector<16xf32>,
          tpu.vector_store %arg12[%swap3A_282, %swap3A_283], %mul3A_281 {strides = array<i32>} : memref<128x128xf32, #tpu.memory_space<vmem>>, vector<16xf32>,
          %get3A_285 = arith.index_cast %add3A_242 : i32 to index
          %get3A_286 = arith.constant 96 : index
          %get3A_287 = tpu.vector_load %arg12[%get3A_285, %get3A_286] {strides = array<i32>} : memref<128x128xf32, #tpu.memory_space<vmem>>, vector<16xf32>,
          %mul3A_288 = arith.mulf %get3A_287, %gather3A : vector<16xf32>
          %swap3A_289 = arith.index_cast %add3A_242 : i32 to index
          %swap3A_290 = arith.constant 96 : index
          %swap3A_291 = tpu.vector_load %arg12[%swap3A_289, %swap3A_290] {strides = array<i32>} : memref<128x128xf32, #tpu.memory_space<vmem>>, vector<16xf32>,
          tpu.vector_store %arg12[%swap3A_289, %swap3A_290], %mul3A_288 {strides = array<i32>} : memref<128x128xf32, #tpu.memory_space<vmem>>, vector<16xf32>,
          %get3A_292 = arith.index_cast %add3A_242 : i32 to index
          %get3A_293 = arith.constant 112 : index
          %get3A_294 = tpu.vector_load %arg12[%get3A_292, %get3A_293] {strides = array<i32>} : memref<128x128xf32, #tpu.memory_space<vmem>>, vector<16xf32>,
          %mul3A_295 = arith.mulf %get3A_294, %gather3A : vector<16xf32>
          %swap3A_296 = arith.index_cast %add3A_242 : i32 to index
          %swap3A_297 = arith.constant 112 : index
          %swap3A_298 = tpu.vector_load %arg12[%swap3A_296, %swap3A_297] {strides = array<i32>} : memref<128x128xf32, #tpu.memory_space<vmem>>, vector<16xf32>,
          tpu.vector_store %arg12[%swap3A_296, %swap3A_297], %mul3A_295 {strides = array<i32>} : memref<128x128xf32, #tpu.memory_space<vmem>>, vector<16xf32>,
        }
        %scan3A_229 = arith.constant 128 : i32
        %run_scoped3A_230 = arith.constant 1 : i32
        "tpu.region"() ({
          %run_scoped3A_238 = tpu.sem_alloc : memref<!tpu.dma_semaphore, #tpu.memory_space<semaphore_mem>>
          %dma_start3A_239 = arith.constant 0 : i32
          %dma_start3A_240 = tpu.memref_slice %arg9[%run_scoped3A_230, %dma_start3A_239] : memref<2x128xi32, #tpu.memory_space<vmem>> -> memref<1x128xi32, #tpu.memory_space<vmem>>
          %dma_start3A_241 = tpu.memref_squeeze %dma_start3A_240 : memref<1x128xi32, #tpu.memory_space<vmem>> -> memref<128xi32, #tpu.memory_space<vmem>>
          %dma_start3A_242 = arith.constant 0 : i32
          %dma_start3A_243 = arith.constant 0 : i32
          %dma_start3A_244 = tpu.memref_slice %arg13[%dma_start3A_242, %dma_start3A_243] : memref<10112x128xf32, #tpu.memory_space<vmem_shared>> -> memref<10112x128xf32, #tpu.memory_space<vmem_shared>>
          tpu.enqueue_indirect_dma source(%arg12 : memref<128x128xf32, #tpu.memory_space<vmem>>) target(%dma_start3A_244 : memref<10112x128xf32, #tpu.memory_space<vmem_shared>>) offsets(%dma_start3A_241 : memref<128xi32, #tpu.memory_space<vmem>>) semaphore(%run_scoped3A_238 : memref<!tpu.dma_semaphore, #tpu.memory_space<semaphore_mem>>) {add = true}
          %dma_wait3A_245 = arith.constant 0 : i32
          %dma_wait3A_246 = tpu.memref_slice %arg9[%run_scoped3A_230, %dma_wait3A_245] : memref<2x128xi32, #tpu.memory_space<vmem>> -> memref<1x128xi32, #tpu.memory_space<vmem>>
          %dma_wait3A_247 = tpu.memref_squeeze %dma_wait3A_246 : memref<1x128xi32, #tpu.memory_space<vmem>> -> memref<128xi32, #tpu.memory_space<vmem>>
          %dma_wait3A_248 = arith.constant 0 : i32
          %dma_wait3A_249 = arith.constant 0 : i32
          %dma_wait3A_250 = tpu.memref_slice %arg13[%dma_wait3A_248, %dma_wait3A_249] : memref<10112x128xf32, #tpu.memory_space<vmem_shared>> -> memref<10112x128xf32, #tpu.memory_space<vmem_shared>>
          tpu.wait_indirect_dma semaphore(%run_scoped3A_238 : memref<!tpu.dma_semaphore, #tpu.memory_space<semaphore_mem>>) src(%arg12 : memref<128x128xf32, #tpu.memory_space<vmem>>) dst(%dma_wait3A_250 : memref<10112x128xf32, #tpu.memory_space<vmem_shared>>)
          tpu.yield
        }) : () -> ()
        %add3A_231 = arith.constant 2 : i32
        %add3A_232 = arith.addi %add3A_188, %add3A_231 : i32
        %lt3A_233 = arith.constant 80 : i32
        %lt3A_234 = arith.cmpi slt, %add3A_232, %lt3A_233 : i32
        %convert_element_type3A_235 = arith.extui %lt3A_234 : i1 to i32
        %cond3A_236 = arith.constant 0 : i32
        %cond3A_237 = arith.cmpi ne, %convert_element_type3A_235, %cond3A_236 : i32
        scf.if %cond3A_237 {
          %add3A_238 = arith.constant 2 : i32
          %add3A_239 = arith.addi %add3A_188, %add3A_238 : i32
          %mul3A_240 = arith.constant 128 : i32
          %mul3A_241 = arith.muli %add3A_239, %mul3A_240 : i32
          %add3A_242 = arith.addi %mul3A_33, %mul3A_241 : i32
          %dma_start3A_243 = arith.constant 1 : i32
          %dma_start3A_244 = arith.constant 0 : i32
          %dma_start3A_245 = tpu.memref_slice %arg9[%dma_start3A_243, %dma_start3A_244] : memref<2x128xi32, #tpu.memory_space<vmem>> -> memref<1x128xi32, #tpu.memory_space<vmem>>
          %dma_start3A_246 = tpu.memref_squeeze %dma_start3A_245 : memref<1x128xi32, #tpu.memory_space<vmem>> -> memref<128xi32, #tpu.memory_space<vmem>>
          %dma_start3A_247 = tpu.memref_slice %arg4[%add3A_242] : memref<327680xi32, #tpu.memory_space<hbm>> -> memref<128xi32, #tpu.memory_space<hbm>>
          %dma_start3A_248 = arith.constant 0 : i32
          %dma_start3A_249 = tpu.memref_slice %arg9[%dma_start3A_243, %dma_start3A_248] : memref<2x128xi32, #tpu.memory_space<vmem>> -> memref<1x128xi32, #tpu.memory_space<vmem>>
          %dma_start3A_250 = tpu.memref_squeeze %dma_start3A_249 : memref<1x128xi32, #tpu.memory_space<vmem>> -> memref<128xi32, #tpu.memory_space<vmem>>
          %dma_start3A_251 = tpu.memref_slice %arg4[%add3A_242] : memref<327680xi32, #tpu.memory_space<hbm>> -> memref<128xi32, #tpu.memory_space<hbm>>
          tpu.enqueue_dma source(%dma_start3A_251 : memref<128xi32, #tpu.memory_space<hbm>>) target(%dma_start3A_250 : memref<128xi32, #tpu.memory_space<vmem>>) target_semaphore(%arg17 : memref<!tpu.dma_semaphore, #tpu.memory_space<semaphore_mem>>)
          %dma_start3A_252 = arith.constant 1 : i32
          %dma_start3A_253 = arith.constant 0 : i32
          %dma_start3A_254 = tpu.memref_slice %arg10[%dma_start3A_252, %dma_start3A_253] : memref<2x128xf32, #tpu.memory_space<vmem>> -> memref<1x128xf32, #tpu.memory_space<vmem>>
          %dma_start3A_255 = tpu.memref_squeeze %dma_start3A_254 : memref<1x128xf32, #tpu.memory_space<vmem>> -> memref<128xf32, #tpu.memory_space<vmem>>
          %dma_start3A_256 = tpu.memref_slice %arg5[%add3A_242] : memref<327680xf32, #tpu.memory_space<hbm>> -> memref<128xf32, #tpu.memory_space<hbm>>
          %dma_start3A_257 = arith.constant 0 : i32
          %dma_start3A_258 = tpu.memref_slice %arg10[%dma_start3A_252, %dma_start3A_257] : memref<2x128xf32, #tpu.memory_space<vmem>> -> memref<1x128xf32, #tpu.memory_space<vmem>>
          %dma_start3A_259 = tpu.memref_squeeze %dma_start3A_258 : memref<1x128xf32, #tpu.memory_space<vmem>> -> memref<128xf32, #tpu.memory_space<vmem>>
          %dma_start3A_260 = tpu.memref_slice %arg5[%add3A_242] : memref<327680xf32, #tpu.memory_space<hbm>> -> memref<128xf32, #tpu.memory_space<hbm>>
          tpu.enqueue_dma source(%dma_start3A_260 : memref<128xf32, #tpu.memory_space<hbm>>) target(%dma_start3A_259 : memref<128xf32, #tpu.memory_space<vmem>>) target_semaphore(%arg17 : memref<!tpu.dma_semaphore, #tpu.memory_space<semaphore_mem>>)
          %dma_wait3A_261 = arith.constant 1 : i32
          %dma_wait3A_262 = arith.constant 0 : i32
          %dma_wait3A_263 = tpu.memref_slice %arg8[%dma_wait3A_261, %dma_wait3A_262] : memref<2x128xi32, #tpu.memory_space<vmem>> -> memref<1x128xi32, #tpu.memory_space<vmem>>
          %dma_wait3A_264 = tpu.memref_squeeze %dma_wait3A_263 : memref<1x128xi32, #tpu.memory_space<vmem>> -> memref<128xi32, #tpu.memory_space<vmem>>
          %dma_wait3A_265 = arith.constant 0 : i32
          %dma_wait3A_266 = tpu.memref_slice %arg3[%dma_wait3A_265] : memref<327680xi32, #tpu.memory_space<hbm>> -> memref<128xi32, #tpu.memory_space<hbm>>
          %dma_wait3A_267 = arith.constant 0 : i32
          %dma_wait3A_268 = tpu.memref_slice %arg8[%dma_wait3A_261, %dma_wait3A_267] : memref<2x128xi32, #tpu.memory_space<vmem>> -> memref<1x128xi32, #tpu.memory_space<vmem>>
          %dma_wait3A_269 = tpu.memref_squeeze %dma_wait3A_268 : memref<1x128xi32, #tpu.memory_space<vmem>> -> memref<128xi32, #tpu.memory_space<vmem>>
          %dma_wait3A_270 = arith.constant 0 : i32
          %dma_wait3A_271 = tpu.memref_slice %arg3[%dma_wait3A_270] : memref<327680xi32, #tpu.memory_space<hbm>> -> memref<128xi32, #tpu.memory_space<hbm>>
          tpu.wait_dma2 semaphore(%arg19 : memref<!tpu.dma_semaphore, #tpu.memory_space<semaphore_mem>>) src(%dma_wait3A_271 : memref<128xi32, #tpu.memory_space<hbm>>) dst(%dma_wait3A_269 : memref<128xi32, #tpu.memory_space<vmem>>)
          %dma_start3A_272 = arith.constant 1 : i32
          %dma_start3A_273 = arith.constant 0 : i32
          %dma_start3A_274 = tpu.memref_slice %arg8[%dma_start3A_272, %dma_start3A_273] : memref<2x128xi32, #tpu.memory_space<vmem>> -> memref<1x128xi32, #tpu.memory_space<vmem>>
          %dma_start3A_275 = tpu.memref_squeeze %dma_start3A_274 : memref<1x128xi32, #tpu.memory_space<vmem>> -> memref<128xi32, #tpu.memory_space<vmem>>
          %dma_start3A_276 = arith.constant 0 : i32
          %dma_start3A_277 = arith.constant 0 : i32
          %dma_start3A_278 = tpu.memref_slice %arg2[%dma_start3A_276, %dma_start3A_277] : memref<10000x128xf32, #tpu.memory_space<hbm>> -> memref<10000x128xf32, #tpu.memory_space<hbm>>
          tpu.enqueue_indirect_dma source(%dma_start3A_278 : memref<10000x128xf32, #tpu.memory_space<hbm>>) target(%arg12 : memref<128x128xf32, #tpu.memory_space<vmem>>) offsets(%dma_start3A_275 : memref<128xi32, #tpu.memory_space<vmem>>) semaphore(%arg15 : memref<!tpu.dma_semaphore, #tpu.memory_space<semaphore_mem>>)
        } else {
        }
      }
      %scan3A_134 = arith.constant 40 : i32
    } else {
    }
    %eq3A_16 = arith.constant 1 : i32
    %eq3A_17 = arith.cmpi eq, %arg0, %eq3A_16 : i32
    %convert_element_type3A_18 = arith.extui %eq3A_17 : i1 to i32
    %cond3A_19 = arith.constant 0 : i32
    %cond3A_20 = arith.cmpi ne, %convert_element_type3A_18, %cond3A_19 : i32
    scf.if %cond3A_20 {
      %mul3A_32 = arith.constant 10240 : i32
      %mul3A_33 = arith.muli %arg1, %mul3A_32 : i32
      %add3A_34 = arith.constant 163840 : i32
      %add3A_35 = arith.addi %add3A_34, %mul3A_33 : i32
      %add3A_36 = arith.constant 0 : i32
      %add3A_37 = arith.addi %add3A_35, %add3A_36 : i32
      %dma_start3A = arith.constant 0 : i32
      %dma_start3A_38 = arith.constant 0 : i32
      %dma_start3A_39 = tpu.memref_slice %arg8[%dma_start3A, %dma_start3A_38] : memref<2x128xi32, #tpu.memory_space<vmem>> -> memref<1x128xi32, #tpu.memory_space<vmem>>
      %dma_start3A_40 = tpu.memref_squeeze %dma_start3A_39 : memref<1x128xi32, #tpu.memory_space<vmem>> -> memref<128xi32, #tpu.memory_space<vmem>>
      %dma_start3A_41 = tpu.memref_slice %arg3[%add3A_37] : memref<327680xi32, #tpu.memory_space<hbm>> -> memref<128xi32, #tpu.memory_space<hbm>>
      %dma_start3A_42 = arith.constant 0 : i32
      %dma_start3A_43 = tpu.memref_slice %arg8[%dma_start3A, %dma_start3A_42] : memref<2x128xi32, #tpu.memory_space<vmem>> -> memref<1x128xi32, #tpu.memory_space<vmem>>
      %dma_start3A_44 = tpu.memref_squeeze %dma_start3A_43 : memref<1x128xi32, #tpu.memory_space<vmem>> -> memref<128xi32, #tpu.memory_space<vmem>>
      %dma_start3A_45 = tpu.memref_slice %arg3[%add3A_37] : memref<327680xi32, #tpu.memory_space<hbm>> -> memref<128xi32, #tpu.memory_space<hbm>>
      tpu.enqueue_dma source(%dma_start3A_45 : memref<128xi32, #tpu.memory_space<hbm>>) target(%dma_start3A_44 : memref<128xi32, #tpu.memory_space<vmem>>) target_semaphore(%arg18 : memref<!tpu.dma_semaphore, #tpu.memory_space<semaphore_mem>>)
      %add3A_46 = arith.constant 128 : i32
      %add3A_47 = arith.addi %add3A_35, %add3A_46 : i32
      %dma_start3A_48 = arith.constant 1 : i32
      %dma_start3A_49 = arith.constant 0 : i32
      %dma_start3A_50 = tpu.memref_slice %arg8[%dma_start3A_48, %dma_start3A_49] : memref<2x128xi32, #tpu.memory_space<vmem>> -> memref<1x128xi32, #tpu.memory_space<vmem>>
      %dma_start3A_51 = tpu.memref_squeeze %dma_start3A_50 : memref<1x128xi32, #tpu.memory_space<vmem>> -> memref<128xi32, #tpu.memory_space<vmem>>
      %dma_start3A_52 = tpu.memref_slice %arg3[%add3A_47] : memref<327680xi32, #tpu.memory_space<hbm>> -> memref<128xi32, #tpu.memory_space<hbm>>
      %dma_start3A_53 = arith.constant 0 : i32
      %dma_start3A_54 = tpu.memref_slice %arg8[%dma_start3A_48, %dma_start3A_53] : memref<2x128xi32, #tpu.memory_space<vmem>> -> memref<1x128xi32, #tpu.memory_space<vmem>>
      %dma_start3A_55 = tpu.memref_squeeze %dma_start3A_54 : memref<1x128xi32, #tpu.memory_space<vmem>> -> memref<128xi32, #tpu.memory_space<vmem>>
      %dma_start3A_56 = tpu.memref_slice %arg3[%add3A_47] : memref<327680xi32, #tpu.memory_space<hbm>> -> memref<128xi32, #tpu.memory_space<hbm>>
      tpu.enqueue_dma source(%dma_start3A_56 : memref<128xi32, #tpu.memory_space<hbm>>) target(%dma_start3A_55 : memref<128xi32, #tpu.memory_space<vmem>>) target_semaphore(%arg19 : memref<!tpu.dma_semaphore, #tpu.memory_space<semaphore_mem>>)
      %add3A_57 = arith.constant 0 : i32
      %add3A_58 = arith.addi %add3A_35, %add3A_57 : i32
      %dma_start3A_59 = arith.constant 0 : i32
      %dma_start3A_60 = arith.constant 0 : i32
      %dma_start3A_61 = tpu.memref_slice %arg9[%dma_start3A_59, %dma_start3A_60] : memref<2x128xi32, #tpu.memory_space<vmem>> -> memref<1x128xi32, #tpu.memory_space<vmem>>
      %dma_start3A_62 = tpu.memref_squeeze %dma_start3A_61 : memref<1x128xi32, #tpu.memory_space<vmem>> -> memref<128xi32, #tpu.memory_space<vmem>>
      %dma_start3A_63 = tpu.memref_slice %arg4[%add3A_58] : memref<327680xi32, #tpu.memory_space<hbm>> -> memref<128xi32, #tpu.memory_space<hbm>>
      %dma_start3A_64 = arith.constant 0 : i32
      %dma_start3A_65 = tpu.memref_slice %arg9[%dma_start3A_59, %dma_start3A_64] : memref<2x128xi32, #tpu.memory_space<vmem>> -> memref<1x128xi32, #tpu.memory_space<vmem>>
      %dma_start3A_66 = tpu.memref_squeeze %dma_start3A_65 : memref<1x128xi32, #tpu.memory_space<vmem>> -> memref<128xi32, #tpu.memory_space<vmem>>
      %dma_start3A_67 = tpu.memref_slice %arg4[%add3A_58] : memref<327680xi32, #tpu.memory_space<hbm>> -> memref<128xi32, #tpu.memory_space<hbm>>
      tpu.enqueue_dma source(%dma_start3A_67 : memref<128xi32, #tpu.memory_space<hbm>>) target(%dma_start3A_66 : memref<128xi32, #tpu.memory_space<vmem>>) target_semaphore(%arg16 : memref<!tpu.dma_semaphore, #tpu.memory_space<semaphore_mem>>)
      %dma_start3A_68 = arith.constant 0 : i32
      %dma_start3A_69 = arith.constant 0 : i32
      %dma_start3A_70 = tpu.memref_slice %arg10[%dma_start3A_68, %dma_start3A_69] : memref<2x128xf32, #tpu.memory_space<vmem>> -> memref<1x128xf32, #tpu.memory_space<vmem>>
      %dma_start3A_71 = tpu.memref_squeeze %dma_start3A_70 : memref<1x128xf32, #tpu.memory_space<vmem>> -> memref<128xf32, #tpu.memory_space<vmem>>
      %dma_start3A_72 = tpu.memref_slice %arg5[%add3A_58] : memref<327680xf32, #tpu.memory_space<hbm>> -> memref<128xf32, #tpu.memory_space<hbm>>
      %dma_start3A_73 = arith.constant 0 : i32
      %dma_start3A_74 = tpu.memref_slice %arg10[%dma_start3A_68, %dma_start3A_73] : memref<2x128xf32, #tpu.memory_space<vmem>> -> memref<1x128xf32, #tpu.memory_space<vmem>>
      %dma_start3A_75 = tpu.memref_squeeze %dma_start3A_74 : memref<1x128xf32, #tpu.memory_space<vmem>> -> memref<128xf32, #tpu.memory_space<vmem>>
      %dma_start3A_76 = tpu.memref_slice %arg5[%add3A_58] : memref<327680xf32, #tpu.memory_space<hbm>> -> memref<128xf32, #tpu.memory_space<hbm>>
      tpu.enqueue_dma source(%dma_start3A_76 : memref<128xf32, #tpu.memory_space<hbm>>) target(%dma_start3A_75 : memref<128xf32, #tpu.memory_space<vmem>>) target_semaphore(%arg16 : memref<!tpu.dma_semaphore, #tpu.memory_space<semaphore_mem>>)
      %add3A_77 = arith.constant 128 : i32
      %add3A_78 = arith.addi %add3A_35, %add3A_77 : i32
      %dma_start3A_79 = arith.constant 1 : i32
      %dma_start3A_80 = arith.constant 0 : i32
      %dma_start3A_81 = tpu.memref_slice %arg9[%dma_start3A_79, %dma_start3A_80] : memref<2x128xi32, #tpu.memory_space<vmem>> -> memref<1x128xi32, #tpu.memory_space<vmem>>
      %dma_start3A_82 = tpu.memref_squeeze %dma_start3A_81 : memref<1x128xi32, #tpu.memory_space<vmem>> -> memref<128xi32, #tpu.memory_space<vmem>>
      %dma_start3A_83 = tpu.memref_slice %arg4[%add3A_78] : memref<327680xi32, #tpu.memory_space<hbm>> -> memref<128xi32, #tpu.memory_space<hbm>>
      %dma_start3A_84 = arith.constant 0 : i32
      %dma_start3A_85 = tpu.memref_slice %arg9[%dma_start3A_79, %dma_start3A_84] : memref<2x128xi32, #tpu.memory_space<vmem>> -> memref<1x128xi32, #tpu.memory_space<vmem>>
      %dma_start3A_86 = tpu.memref_squeeze %dma_start3A_85 : memref<1x128xi32, #tpu.memory_space<vmem>> -> memref<128xi32, #tpu.memory_space<vmem>>
      %dma_start3A_87 = tpu.memref_slice %arg4[%add3A_78] : memref<327680xi32, #tpu.memory_space<hbm>> -> memref<128xi32, #tpu.memory_space<hbm>>
      tpu.enqueue_dma source(%dma_start3A_87 : memref<128xi32, #tpu.memory_space<hbm>>) target(%dma_start3A_86 : memref<128xi32, #tpu.memory_space<vmem>>) target_semaphore(%arg17 : memref<!tpu.dma_semaphore, #tpu.memory_space<semaphore_mem>>)
      %dma_start3A_88 = arith.constant 1 : i32
      %dma_start3A_89 = arith.constant 0 : i32
      %dma_start3A_90 = tpu.memref_slice %arg10[%dma_start3A_88, %dma_start3A_89] : memref<2x128xf32, #tpu.memory_space<vmem>> -> memref<1x128xf32, #tpu.memory_space<vmem>>
      %dma_start3A_91 = tpu.memref_squeeze %dma_start3A_90 : memref<1x128xf32, #tpu.memory_space<vmem>> -> memref<128xf32, #tpu.memory_space<vmem>>
      %dma_start3A_92 = tpu.memref_slice %arg5[%add3A_78] : memref<327680xf32, #tpu.memory_space<hbm>> -> memref<128xf32, #tpu.memory_space<hbm>>
      %dma_start3A_93 = arith.constant 0 : i32
      %dma_start3A_94 = tpu.memref_slice %arg10[%dma_start3A_88, %dma_start3A_93] : memref<2x128xf32, #tpu.memory_space<vmem>> -> memref<1x128xf32, #tpu.memory_space<vmem>>
      %dma_start3A_95 = tpu.memref_squeeze %dma_start3A_94 : memref<1x128xf32, #tpu.memory_space<vmem>> -> memref<128xf32, #tpu.memory_space<vmem>>
      %dma_start3A_96 = tpu.memref_slice %arg5[%add3A_78] : memref<327680xf32, #tpu.memory_space<hbm>> -> memref<128xf32, #tpu.memory_space<hbm>>
      tpu.enqueue_dma source(%dma_start3A_96 : memref<128xf32, #tpu.memory_space<hbm>>) target(%dma_start3A_95 : memref<128xf32, #tpu.memory_space<vmem>>) target_semaphore(%arg17 : memref<!tpu.dma_semaphore, #tpu.memory_space<semaphore_mem>>)
      %dma_wait3A = arith.constant 0 : i32
      %dma_wait3A_97 = arith.constant 0 : i32
      %dma_wait3A_98 = tpu.memref_slice %arg8[%dma_wait3A, %dma_wait3A_97] : memref<2x128xi32, #tpu.memory_space<vmem>> -> memref<1x128xi32, #tpu.memory_space<vmem>>
      %dma_wait3A_99 = tpu.memref_squeeze %dma_wait3A_98 : memref<1x128xi32, #tpu.memory_space<vmem>> -> memref<128xi32, #tpu.memory_space<vmem>>
      %dma_wait3A_100 = arith.constant 0 : i32
      %dma_wait3A_101 = tpu.memref_slice %arg3[%dma_wait3A_100] : memref<327680xi32, #tpu.memory_space<hbm>> -> memref<128xi32, #tpu.memory_space<hbm>>
      %dma_wait3A_102 = arith.constant 0 : i32
      %dma_wait3A_103 = tpu.memref_slice %arg8[%dma_wait3A, %dma_wait3A_102] : memref<2x128xi32, #tpu.memory_space<vmem>> -> memref<1x128xi32, #tpu.memory_space<vmem>>
      %dma_wait3A_104 = tpu.memref_squeeze %dma_wait3A_103 : memref<1x128xi32, #tpu.memory_space<vmem>> -> memref<128xi32, #tpu.memory_space<vmem>>
      %dma_wait3A_105 = arith.constant 0 : i32
      %dma_wait3A_106 = tpu.memref_slice %arg3[%dma_wait3A_105] : memref<327680xi32, #tpu.memory_space<hbm>> -> memref<128xi32, #tpu.memory_space<hbm>>
      tpu.wait_dma2 semaphore(%arg18 : memref<!tpu.dma_semaphore, #tpu.memory_space<semaphore_mem>>) src(%dma_wait3A_106 : memref<128xi32, #tpu.memory_space<hbm>>) dst(%dma_wait3A_104 : memref<128xi32, #tpu.memory_space<vmem>>)
      %dma_start3A_107 = arith.constant 0 : i32
      %dma_start3A_108 = arith.constant 0 : i32
      %dma_start3A_109 = tpu.memref_slice %arg8[%dma_start3A_107, %dma_start3A_108] : memref<2x128xi32, #tpu.memory_space<vmem>> -> memref<1x128xi32, #tpu.memory_space<vmem>>
      %dma_start3A_110 = tpu.memref_squeeze %dma_start3A_109 : memref<1x128xi32, #tpu.memory_space<vmem>> -> memref<128xi32, #tpu.memory_space<vmem>>
      %dma_start3A_111 = arith.constant 0 : i32
      %dma_start3A_112 = arith.constant 0 : i32
      %dma_start3A_113 = tpu.memref_slice %arg2[%dma_start3A_111, %dma_start3A_112] : memref<10000x128xf32, #tpu.memory_space<hbm>> -> memref<10000x128xf32, #tpu.memory_space<hbm>>
      tpu.enqueue_indirect_dma source(%dma_start3A_113 : memref<10000x128xf32, #tpu.memory_space<hbm>>) target(%arg11 : memref<128x128xf32, #tpu.memory_space<vmem>>) offsets(%dma_start3A_110 : memref<128xi32, #tpu.memory_space<vmem>>) semaphore(%arg14 : memref<!tpu.dma_semaphore, #tpu.memory_space<semaphore_mem>>)
      %dma_wait3A_114 = arith.constant 1 : i32
      %dma_wait3A_115 = arith.constant 0 : i32
      %dma_wait3A_116 = tpu.memref_slice %arg8[%dma_wait3A_114, %dma_wait3A_115] : memref<2x128xi32, #tpu.memory_space<vmem>> -> memref<1x128xi32, #tpu.memory_space<vmem>>
      %dma_wait3A_117 = tpu.memref_squeeze %dma_wait3A_116 : memref<1x128xi32, #tpu.memory_space<vmem>> -> memref<128xi32, #tpu.memory_space<vmem>>
      %dma_wait3A_118 = arith.constant 0 : i32
      %dma_wait3A_119 = tpu.memref_slice %arg3[%dma_wait3A_118] : memref<327680xi32, #tpu.memory_space<hbm>> -> memref<128xi32, #tpu.memory_space<hbm>>
      %dma_wait3A_120 = arith.constant 0 : i32
      %dma_wait3A_121 = tpu.memref_slice %arg8[%dma_wait3A_114, %dma_wait3A_120] : memref<2x128xi32, #tpu.memory_space<vmem>> -> memref<1x128xi32, #tpu.memory_space<vmem>>
      %dma_wait3A_122 = tpu.memref_squeeze %dma_wait3A_121 : memref<1x128xi32, #tpu.memory_space<vmem>> -> memref<128xi32, #tpu.memory_space<vmem>>
      %dma_wait3A_123 = arith.constant 0 : i32
      %dma_wait3A_124 = tpu.memref_slice %arg3[%dma_wait3A_123] : memref<327680xi32, #tpu.memory_space<hbm>> -> memref<128xi32, #tpu.memory_space<hbm>>
      tpu.wait_dma2 semaphore(%arg19 : memref<!tpu.dma_semaphore, #tpu.memory_space<semaphore_mem>>) src(%dma_wait3A_124 : memref<128xi32, #tpu.memory_space<hbm>>) dst(%dma_wait3A_122 : memref<128xi32, #tpu.memory_space<vmem>>)
      %dma_start3A_125 = arith.constant 1 : i32
      %dma_start3A_126 = arith.constant 0 : i32
      %dma_start3A_127 = tpu.memref_slice %arg8[%dma_start3A_125, %dma_start3A_126] : memref<2x128xi32, #tpu.memory_space<vmem>> -> memref<1x128xi32, #tpu.memory_space<vmem>>
      %dma_start3A_128 = tpu.memref_squeeze %dma_start3A_127 : memref<1x128xi32, #tpu.memory_space<vmem>> -> memref<128xi32, #tpu.memory_space<vmem>>
      %dma_start3A_129 = arith.constant 0 : i32
      %dma_start3A_130 = arith.constant 0 : i32
      %dma_start3A_131 = tpu.memref_slice %arg2[%dma_start3A_129, %dma_start3A_130] : memref<10000x128xf32, #tpu.memory_space<hbm>> -> memref<10000x128xf32, #tpu.memory_space<hbm>>
      tpu.enqueue_indirect_dma source(%dma_start3A_131 : memref<10000x128xf32, #tpu.memory_space<hbm>>) target(%arg12 : memref<128x128xf32, #tpu.memory_space<vmem>>) offsets(%dma_start3A_128 : memref<128xi32, #tpu.memory_space<vmem>>) semaphore(%arg15 : memref<!tpu.dma_semaphore, #tpu.memory_space<semaphore_mem>>)
      %scan3A_132 = arith.constant 0 : i32
      %scan3A_133 = arith.constant 40 : i32
      %scan3A_134 = arith.addi %scan3A_132, %scan3A_133 : i32
      %scan3A_135 = arith.constant 1 : i32
      scf.for %scan3A_137 = %scan3A_132 to %scan3A_134 step %scan3A_135  : i32 {
        %mul3A_138 = arith.constant 2 : i32
        %mul3A_139 = arith.muli %scan3A_137, %mul3A_138 : i32
        %add3A_140 = arith.constant 0 : i32
        %add3A_141 = arith.addi %add3A_140, %mul3A_139 : i32
        %dma_wait3A_142 = arith.constant 0 : i32
        %dma_wait3A_143 = arith.constant 0 : i32
        %dma_wait3A_144 = tpu.memref_slice %arg8[%dma_wait3A_142, %dma_wait3A_143] : memref<2x128xi32, #tpu.memory_space<vmem>> -> memref<1x128xi32, #tpu.memory_space<vmem>>
        %dma_wait3A_145 = tpu.memref_squeeze %dma_wait3A_144 : memref<1x128xi32, #tpu.memory_space<vmem>> -> memref<128xi32, #tpu.memory_space<vmem>>
        %dma_wait3A_146 = arith.constant 0 : i32
        %dma_wait3A_147 = arith.constant 0 : i32
        %dma_wait3A_148 = tpu.memref_slice %arg2[%dma_wait3A_146, %dma_wait3A_147] : memref<10000x128xf32, #tpu.memory_space<hbm>> -> memref<10000x128xf32, #tpu.memory_space<hbm>>
        tpu.wait_indirect_dma semaphore(%arg14 : memref<!tpu.dma_semaphore, #tpu.memory_space<semaphore_mem>>) src(%dma_wait3A_148 : memref<10000x128xf32, #tpu.memory_space<hbm>>) dst(%arg11 : memref<128x128xf32, #tpu.memory_space<vmem>>)
        %add3A_149 = arith.constant 2 : i32
        %add3A_150 = arith.addi %add3A_141, %add3A_149 : i32
        %lt3A = arith.constant 80 : i32
        %lt3A_151 = arith.cmpi slt, %add3A_150, %lt3A : i32
        %convert_element_type3A_152 = arith.extui %lt3A_151 : i1 to i32
        %cond3A_153 = arith.constant 0 : i32
        %cond3A_154 = arith.cmpi ne, %convert_element_type3A_152, %cond3A_153 : i32
        scf.if %cond3A_154 {
          %add3A_240 = arith.constant 2 : i32
          %add3A_241 = arith.addi %add3A_141, %add3A_240 : i32
          %mul3A_242 = arith.constant 128 : i32
          %mul3A_243 = arith.muli %add3A_241, %mul3A_242 : i32
          %add3A_244 = arith.addi %add3A_35, %mul3A_243 : i32
          %dma_start3A_245 = arith.constant 0 : i32
          %dma_start3A_246 = arith.constant 0 : i32
          %dma_start3A_247 = tpu.memref_slice %arg8[%dma_start3A_245, %dma_start3A_246] : memref<2x128xi32, #tpu.memory_space<vmem>> -> memref<1x128xi32, #tpu.memory_space<vmem>>
          %dma_start3A_248 = tpu.memref_squeeze %dma_start3A_247 : memref<1x128xi32, #tpu.memory_space<vmem>> -> memref<128xi32, #tpu.memory_space<vmem>>
          %dma_start3A_249 = tpu.memref_slice %arg3[%add3A_244] : memref<327680xi32, #tpu.memory_space<hbm>> -> memref<128xi32, #tpu.memory_space<hbm>>
          %dma_start3A_250 = arith.constant 0 : i32
          %dma_start3A_251 = tpu.memref_slice %arg8[%dma_start3A_245, %dma_start3A_250] : memref<2x128xi32, #tpu.memory_space<vmem>> -> memref<1x128xi32, #tpu.memory_space<vmem>>
          %dma_start3A_252 = tpu.memref_squeeze %dma_start3A_251 : memref<1x128xi32, #tpu.memory_space<vmem>> -> memref<128xi32, #tpu.memory_space<vmem>>
          %dma_start3A_253 = tpu.memref_slice %arg3[%add3A_244] : memref<327680xi32, #tpu.memory_space<hbm>> -> memref<128xi32, #tpu.memory_space<hbm>>
          tpu.enqueue_dma source(%dma_start3A_253 : memref<128xi32, #tpu.memory_space<hbm>>) target(%dma_start3A_252 : memref<128xi32, #tpu.memory_space<vmem>>) target_semaphore(%arg18 : memref<!tpu.dma_semaphore, #tpu.memory_space<semaphore_mem>>)
        } else {
        }
        %dma_wait3A_155 = arith.constant 0 : i32
        %dma_wait3A_156 = arith.constant 0 : i32
        %dma_wait3A_157 = tpu.memref_slice %arg9[%dma_wait3A_155, %dma_wait3A_156] : memref<2x128xi32, #tpu.memory_space<vmem>> -> memref<1x128xi32, #tpu.memory_space<vmem>>
        %dma_wait3A_158 = tpu.memref_squeeze %dma_wait3A_157 : memref<1x128xi32, #tpu.memory_space<vmem>> -> memref<128xi32, #tpu.memory_space<vmem>>
        %dma_wait3A_159 = arith.constant 0 : i32
        %dma_wait3A_160 = tpu.memref_slice %arg4[%dma_wait3A_159] : memref<327680xi32, #tpu.memory_space<hbm>> -> memref<128xi32, #tpu.memory_space<hbm>>
        %dma_wait3A_161 = arith.constant 0 : i32
        %dma_wait3A_162 = tpu.memref_slice %arg9[%dma_wait3A_155, %dma_wait3A_161] : memref<2x128xi32, #tpu.memory_space<vmem>> -> memref<1x128xi32, #tpu.memory_space<vmem>>
        %dma_wait3A_163 = tpu.memref_squeeze %dma_wait3A_162 : memref<1x128xi32, #tpu.memory_space<vmem>> -> memref<128xi32, #tpu.memory_space<vmem>>
        %dma_wait3A_164 = arith.constant 0 : i32
        %dma_wait3A_165 = tpu.memref_slice %arg4[%dma_wait3A_164] : memref<327680xi32, #tpu.memory_space<hbm>> -> memref<128xi32, #tpu.memory_space<hbm>>
        tpu.wait_dma2 semaphore(%arg16 : memref<!tpu.dma_semaphore, #tpu.memory_space<semaphore_mem>>) src(%dma_wait3A_165 : memref<128xi32, #tpu.memory_space<hbm>>) dst(%dma_wait3A_163 : memref<128xi32, #tpu.memory_space<vmem>>)
        %dma_wait3A_166 = arith.constant 0 : i32
        %dma_wait3A_167 = arith.constant 0 : i32
        %dma_wait3A_168 = tpu.memref_slice %arg10[%dma_wait3A_166, %dma_wait3A_167] : memref<2x128xf32, #tpu.memory_space<vmem>> -> memref<1x128xf32, #tpu.memory_space<vmem>>
        %dma_wait3A_169 = tpu.memref_squeeze %dma_wait3A_168 : memref<1x128xf32, #tpu.memory_space<vmem>> -> memref<128xf32, #tpu.memory_space<vmem>>
        %dma_wait3A_170 = arith.constant 0 : i32
        %dma_wait3A_171 = tpu.memref_slice %arg5[%dma_wait3A_170] : memref<327680xf32, #tpu.memory_space<hbm>> -> memref<128xf32, #tpu.memory_space<hbm>>
        %dma_wait3A_172 = arith.constant 0 : i32
        %dma_wait3A_173 = tpu.memref_slice %arg10[%dma_wait3A_166, %dma_wait3A_172] : memref<2x128xf32, #tpu.memory_space<vmem>> -> memref<1x128xf32, #tpu.memory_space<vmem>>
        %dma_wait3A_174 = tpu.memref_squeeze %dma_wait3A_173 : memref<1x128xf32, #tpu.memory_space<vmem>> -> memref<128xf32, #tpu.memory_space<vmem>>
        %dma_wait3A_175 = arith.constant 0 : i32
        %dma_wait3A_176 = tpu.memref_slice %arg5[%dma_wait3A_175] : memref<327680xf32, #tpu.memory_space<hbm>> -> memref<128xf32, #tpu.memory_space<hbm>>
        tpu.wait_dma2 semaphore(%arg16 : memref<!tpu.dma_semaphore, #tpu.memory_space<semaphore_mem>>) src(%dma_wait3A_176 : memref<128xf32, #tpu.memory_space<hbm>>) dst(%dma_wait3A_174 : memref<128xf32, #tpu.memory_space<vmem>>)
        %scan3A_177 = arith.constant 0 : i32
        %scan3A_178 = arith.constant 128 : i32
        %scan3A_179 = arith.addi %scan3A_177, %scan3A_178 : i32
        %scan3A_180 = arith.constant 1 : i32
        scf.for %scan3A_240 = %scan3A_177 to %scan3A_179 step %scan3A_180  : i32 {
          %mul3A_241 = arith.constant 1 : i32
          %mul3A_242 = arith.muli %scan3A_240, %mul3A_241 : i32
          %add3A_243 = arith.constant 0 : i32
          %add3A_244 = arith.addi %add3A_243, %mul3A_242 : i32
          %broadcast_in_dim3A = arith.constant 0 : i32
          %broadcast_in_dim3A_245 = vector.broadcast %broadcast_in_dim3A : i32 to vector<16xi32>
          %broadcast_in_dim3A_246 = vector.broadcast %add3A_244 : i32 to vector<16xi32>
          %gather3A = tpu.vector_load_idx %arg10[%broadcast_in_dim3A_245, %broadcast_in_dim3A_246] : memref<2x128xf32, #tpu.memory_space<vmem>>[vector<16xi32>, vector<16xi32>], vector<16xf32>,
          %get3A = arith.index_cast %add3A_244 : i32 to index
          %get3A_247 = arith.constant 0 : index
          %get3A_248 = tpu.vector_load %arg11[%get3A, %get3A_247] {strides = array<i32>} : memref<128x128xf32, #tpu.memory_space<vmem>>, vector<16xf32>,
          %mul3A_249 = arith.mulf %get3A_248, %gather3A : vector<16xf32>
          %swap3A = arith.index_cast %add3A_244 : i32 to index
          %swap3A_250 = arith.constant 0 : index
          %swap3A_251 = tpu.vector_load %arg11[%swap3A, %swap3A_250] {strides = array<i32>} : memref<128x128xf32, #tpu.memory_space<vmem>>, vector<16xf32>,
          tpu.vector_store %arg11[%swap3A, %swap3A_250], %mul3A_249 {strides = array<i32>} : memref<128x128xf32, #tpu.memory_space<vmem>>, vector<16xf32>,
          %get3A_252 = arith.index_cast %add3A_244 : i32 to index
          %get3A_253 = arith.constant 16 : index
          %get3A_254 = tpu.vector_load %arg11[%get3A_252, %get3A_253] {strides = array<i32>} : memref<128x128xf32, #tpu.memory_space<vmem>>, vector<16xf32>,
          %mul3A_255 = arith.mulf %get3A_254, %gather3A : vector<16xf32>
          %swap3A_256 = arith.index_cast %add3A_244 : i32 to index
          %swap3A_257 = arith.constant 16 : index
          %swap3A_258 = tpu.vector_load %arg11[%swap3A_256, %swap3A_257] {strides = array<i32>} : memref<128x128xf32, #tpu.memory_space<vmem>>, vector<16xf32>,
          tpu.vector_store %arg11[%swap3A_256, %swap3A_257], %mul3A_255 {strides = array<i32>} : memref<128x128xf32, #tpu.memory_space<vmem>>, vector<16xf32>,
          %get3A_259 = arith.index_cast %add3A_244 : i32 to index
          %get3A_260 = arith.constant 32 : index
          %get3A_261 = tpu.vector_load %arg11[%get3A_259, %get3A_260] {strides = array<i32>} : memref<128x128xf32, #tpu.memory_space<vmem>>, vector<16xf32>,
          %mul3A_262 = arith.mulf %get3A_261, %gather3A : vector<16xf32>
          %swap3A_263 = arith.index_cast %add3A_244 : i32 to index
          %swap3A_264 = arith.constant 32 : index
          %swap3A_265 = tpu.vector_load %arg11[%swap3A_263, %swap3A_264] {strides = array<i32>} : memref<128x128xf32, #tpu.memory_space<vmem>>, vector<16xf32>,
          tpu.vector_store %arg11[%swap3A_263, %swap3A_264], %mul3A_262 {strides = array<i32>} : memref<128x128xf32, #tpu.memory_space<vmem>>, vector<16xf32>,
          %get3A_266 = arith.index_cast %add3A_244 : i32 to index
          %get3A_267 = arith.constant 48 : index
          %get3A_268 = tpu.vector_load %arg11[%get3A_266, %get3A_267] {strides = array<i32>} : memref<128x128xf32, #tpu.memory_space<vmem>>, vector<16xf32>,
          %mul3A_269 = arith.mulf %get3A_268, %gather3A : vector<16xf32>
          %swap3A_270 = arith.index_cast %add3A_244 : i32 to index
          %swap3A_271 = arith.constant 48 : index
          %swap3A_272 = tpu.vector_load %arg11[%swap3A_270, %swap3A_271] {strides = array<i32>} : memref<128x128xf32, #tpu.memory_space<vmem>>, vector<16xf32>,
          tpu.vector_store %arg11[%swap3A_270, %swap3A_271], %mul3A_269 {strides = array<i32>} : memref<128x128xf32, #tpu.memory_space<vmem>>, vector<16xf32>,
          %get3A_273 = arith.index_cast %add3A_244 : i32 to index
          %get3A_274 = arith.constant 64 : index
          %get3A_275 = tpu.vector_load %arg11[%get3A_273, %get3A_274] {strides = array<i32>} : memref<128x128xf32, #tpu.memory_space<vmem>>, vector<16xf32>,
          %mul3A_276 = arith.mulf %get3A_275, %gather3A : vector<16xf32>
          %swap3A_277 = arith.index_cast %add3A_244 : i32 to index
          %swap3A_278 = arith.constant 64 : index
          %swap3A_279 = tpu.vector_load %arg11[%swap3A_277, %swap3A_278] {strides = array<i32>} : memref<128x128xf32, #tpu.memory_space<vmem>>, vector<16xf32>,
          tpu.vector_store %arg11[%swap3A_277, %swap3A_278], %mul3A_276 {strides = array<i32>} : memref<128x128xf32, #tpu.memory_space<vmem>>, vector<16xf32>,
          %get3A_280 = arith.index_cast %add3A_244 : i32 to index
          %get3A_281 = arith.constant 80 : index
          %get3A_282 = tpu.vector_load %arg11[%get3A_280, %get3A_281] {strides = array<i32>} : memref<128x128xf32, #tpu.memory_space<vmem>>, vector<16xf32>,
          %mul3A_283 = arith.mulf %get3A_282, %gather3A : vector<16xf32>
          %swap3A_284 = arith.index_cast %add3A_244 : i32 to index
          %swap3A_285 = arith.constant 80 : index
          %swap3A_286 = tpu.vector_load %arg11[%swap3A_284, %swap3A_285] {strides = array<i32>} : memref<128x128xf32, #tpu.memory_space<vmem>>, vector<16xf32>,
          tpu.vector_store %arg11[%swap3A_284, %swap3A_285], %mul3A_283 {strides = array<i32>} : memref<128x128xf32, #tpu.memory_space<vmem>>, vector<16xf32>,
          %get3A_287 = arith.index_cast %add3A_244 : i32 to index
          %get3A_288 = arith.constant 96 : index
          %get3A_289 = tpu.vector_load %arg11[%get3A_287, %get3A_288] {strides = array<i32>} : memref<128x128xf32, #tpu.memory_space<vmem>>, vector<16xf32>,
          %mul3A_290 = arith.mulf %get3A_289, %gather3A : vector<16xf32>
          %swap3A_291 = arith.index_cast %add3A_244 : i32 to index
          %swap3A_292 = arith.constant 96 : index
          %swap3A_293 = tpu.vector_load %arg11[%swap3A_291, %swap3A_292] {strides = array<i32>} : memref<128x128xf32, #tpu.memory_space<vmem>>, vector<16xf32>,
          tpu.vector_store %arg11[%swap3A_291, %swap3A_292], %mul3A_290 {strides = array<i32>} : memref<128x128xf32, #tpu.memory_space<vmem>>, vector<16xf32>,
          %get3A_294 = arith.index_cast %add3A_244 : i32 to index
          %get3A_295 = arith.constant 112 : index
          %get3A_296 = tpu.vector_load %arg11[%get3A_294, %get3A_295] {strides = array<i32>} : memref<128x128xf32, #tpu.memory_space<vmem>>, vector<16xf32>,
          %mul3A_297 = arith.mulf %get3A_296, %gather3A : vector<16xf32>
          %swap3A_298 = arith.index_cast %add3A_244 : i32 to index
          %swap3A_299 = arith.constant 112 : index
          %swap3A_300 = tpu.vector_load %arg11[%swap3A_298, %swap3A_299] {strides = array<i32>} : memref<128x128xf32, #tpu.memory_space<vmem>>, vector<16xf32>,
          tpu.vector_store %arg11[%swap3A_298, %swap3A_299], %mul3A_297 {strides = array<i32>} : memref<128x128xf32, #tpu.memory_space<vmem>>, vector<16xf32>,
        }
        %scan3A_181 = arith.constant 128 : i32
        %run_scoped3A = arith.constant 0 : i32
        "tpu.region"() ({
          %run_scoped3A_240 = tpu.sem_alloc : memref<!tpu.dma_semaphore, #tpu.memory_space<semaphore_mem>>
          %dma_start3A_241 = arith.constant 0 : i32
          %dma_start3A_242 = tpu.memref_slice %arg9[%run_scoped3A, %dma_start3A_241] : memref<2x128xi32, #tpu.memory_space<vmem>> -> memref<1x128xi32, #tpu.memory_space<vmem>>
          %dma_start3A_243 = tpu.memref_squeeze %dma_start3A_242 : memref<1x128xi32, #tpu.memory_space<vmem>> -> memref<128xi32, #tpu.memory_space<vmem>>
          %dma_start3A_244 = arith.constant 0 : i32
          %dma_start3A_245 = arith.constant 0 : i32
          %dma_start3A_246 = tpu.memref_slice %arg13[%dma_start3A_244, %dma_start3A_245] : memref<10112x128xf32, #tpu.memory_space<vmem_shared>> -> memref<10112x128xf32, #tpu.memory_space<vmem_shared>>
          tpu.enqueue_indirect_dma source(%arg11 : memref<128x128xf32, #tpu.memory_space<vmem>>) target(%dma_start3A_246 : memref<10112x128xf32, #tpu.memory_space<vmem_shared>>) offsets(%dma_start3A_243 : memref<128xi32, #tpu.memory_space<vmem>>) semaphore(%run_scoped3A_240 : memref<!tpu.dma_semaphore, #tpu.memory_space<semaphore_mem>>) {add = true}
          %dma_wait3A_247 = arith.constant 0 : i32
          %dma_wait3A_248 = tpu.memref_slice %arg9[%run_scoped3A, %dma_wait3A_247] : memref<2x128xi32, #tpu.memory_space<vmem>> -> memref<1x128xi32, #tpu.memory_space<vmem>>
          %dma_wait3A_249 = tpu.memref_squeeze %dma_wait3A_248 : memref<1x128xi32, #tpu.memory_space<vmem>> -> memref<128xi32, #tpu.memory_space<vmem>>
          %dma_wait3A_250 = arith.constant 0 : i32
          %dma_wait3A_251 = arith.constant 0 : i32
          %dma_wait3A_252 = tpu.memref_slice %arg13[%dma_wait3A_250, %dma_wait3A_251] : memref<10112x128xf32, #tpu.memory_space<vmem_shared>> -> memref<10112x128xf32, #tpu.memory_space<vmem_shared>>
          tpu.wait_indirect_dma semaphore(%run_scoped3A_240 : memref<!tpu.dma_semaphore, #tpu.memory_space<semaphore_mem>>) src(%arg11 : memref<128x128xf32, #tpu.memory_space<vmem>>) dst(%dma_wait3A_252 : memref<10112x128xf32, #tpu.memory_space<vmem_shared>>)
          tpu.yield
        }) : () -> ()
        %add3A_182 = arith.constant 2 : i32
        %add3A_183 = arith.addi %add3A_141, %add3A_182 : i32
        %lt3A_184 = arith.constant 80 : i32
        %lt3A_185 = arith.cmpi slt, %add3A_183, %lt3A_184 : i32
        %convert_element_type3A_186 = arith.extui %lt3A_185 : i1 to i32
        %cond3A_187 = arith.constant 0 : i32
        %cond3A_188 = arith.cmpi ne, %convert_element_type3A_186, %cond3A_187 : i32
        scf.if %cond3A_188 {
          %add3A_240 = arith.constant 2 : i32
          %add3A_241 = arith.addi %add3A_141, %add3A_240 : i32
          %mul3A_242 = arith.constant 128 : i32
          %mul3A_243 = arith.muli %add3A_241, %mul3A_242 : i32
          %add3A_244 = arith.addi %add3A_35, %mul3A_243 : i32
          %dma_start3A_245 = arith.constant 0 : i32
          %dma_start3A_246 = arith.constant 0 : i32
          %dma_start3A_247 = tpu.memref_slice %arg9[%dma_start3A_245, %dma_start3A_246] : memref<2x128xi32, #tpu.memory_space<vmem>> -> memref<1x128xi32, #tpu.memory_space<vmem>>
          %dma_start3A_248 = tpu.memref_squeeze %dma_start3A_247 : memref<1x128xi32, #tpu.memory_space<vmem>> -> memref<128xi32, #tpu.memory_space<vmem>>
          %dma_start3A_249 = tpu.memref_slice %arg4[%add3A_244] : memref<327680xi32, #tpu.memory_space<hbm>> -> memref<128xi32, #tpu.memory_space<hbm>>
          %dma_start3A_250 = arith.constant 0 : i32
          %dma_start3A_251 = tpu.memref_slice %arg9[%dma_start3A_245, %dma_start3A_250] : memref<2x128xi32, #tpu.memory_space<vmem>> -> memref<1x128xi32, #tpu.memory_space<vmem>>
          %dma_start3A_252 = tpu.memref_squeeze %dma_start3A_251 : memref<1x128xi32, #tpu.memory_space<vmem>> -> memref<128xi32, #tpu.memory_space<vmem>>
          %dma_start3A_253 = tpu.memref_slice %arg4[%add3A_244] : memref<327680xi32, #tpu.memory_space<hbm>> -> memref<128xi32, #tpu.memory_space<hbm>>
          tpu.enqueue_dma source(%dma_start3A_253 : memref<128xi32, #tpu.memory_space<hbm>>) target(%dma_start3A_252 : memref<128xi32, #tpu.memory_space<vmem>>) target_semaphore(%arg16 : memref<!tpu.dma_semaphore, #tpu.memory_space<semaphore_mem>>)
          %dma_start3A_254 = arith.constant 0 : i32
          %dma_start3A_255 = arith.constant 0 : i32
          %dma_start3A_256 = tpu.memref_slice %arg10[%dma_start3A_254, %dma_start3A_255] : memref<2x128xf32, #tpu.memory_space<vmem>> -> memref<1x128xf32, #tpu.memory_space<vmem>>
          %dma_start3A_257 = tpu.memref_squeeze %dma_start3A_256 : memref<1x128xf32, #tpu.memory_space<vmem>> -> memref<128xf32, #tpu.memory_space<vmem>>
          %dma_start3A_258 = tpu.memref_slice %arg5[%add3A_244] : memref<327680xf32, #tpu.memory_space<hbm>> -> memref<128xf32, #tpu.memory_space<hbm>>
          %dma_start3A_259 = arith.constant 0 : i32
          %dma_start3A_260 = tpu.memref_slice %arg10[%dma_start3A_254, %dma_start3A_259] : memref<2x128xf32, #tpu.memory_space<vmem>> -> memref<1x128xf32, #tpu.memory_space<vmem>>
          %dma_start3A_261 = tpu.memref_squeeze %dma_start3A_260 : memref<1x128xf32, #tpu.memory_space<vmem>> -> memref<128xf32, #tpu.memory_space<vmem>>
          %dma_start3A_262 = tpu.memref_slice %arg5[%add3A_244] : memref<327680xf32, #tpu.memory_space<hbm>> -> memref<128xf32, #tpu.memory_space<hbm>>
          tpu.enqueue_dma source(%dma_start3A_262 : memref<128xf32, #tpu.memory_space<hbm>>) target(%dma_start3A_261 : memref<128xf32, #tpu.memory_space<vmem>>) target_semaphore(%arg16 : memref<!tpu.dma_semaphore, #tpu.memory_space<semaphore_mem>>)
          %dma_wait3A_263 = arith.constant 0 : i32
          %dma_wait3A_264 = arith.constant 0 : i32
          %dma_wait3A_265 = tpu.memref_slice %arg8[%dma_wait3A_263, %dma_wait3A_264] : memref<2x128xi32, #tpu.memory_space<vmem>> -> memref<1x128xi32, #tpu.memory_space<vmem>>
          %dma_wait3A_266 = tpu.memref_squeeze %dma_wait3A_265 : memref<1x128xi32, #tpu.memory_space<vmem>> -> memref<128xi32, #tpu.memory_space<vmem>>
          %dma_wait3A_267 = arith.constant 0 : i32
          %dma_wait3A_268 = tpu.memref_slice %arg3[%dma_wait3A_267] : memref<327680xi32, #tpu.memory_space<hbm>> -> memref<128xi32, #tpu.memory_space<hbm>>
          %dma_wait3A_269 = arith.constant 0 : i32
          %dma_wait3A_270 = tpu.memref_slice %arg8[%dma_wait3A_263, %dma_wait3A_269] : memref<2x128xi32, #tpu.memory_space<vmem>> -> memref<1x128xi32, #tpu.memory_space<vmem>>
          %dma_wait3A_271 = tpu.memref_squeeze %dma_wait3A_270 : memref<1x128xi32, #tpu.memory_space<vmem>> -> memref<128xi32, #tpu.memory_space<vmem>>
          %dma_wait3A_272 = arith.constant 0 : i32
          %dma_wait3A_273 = tpu.memref_slice %arg3[%dma_wait3A_272] : memref<327680xi32, #tpu.memory_space<hbm>> -> memref<128xi32, #tpu.memory_space<hbm>>
          tpu.wait_dma2 semaphore(%arg18 : memref<!tpu.dma_semaphore, #tpu.memory_space<semaphore_mem>>) src(%dma_wait3A_273 : memref<128xi32, #tpu.memory_space<hbm>>) dst(%dma_wait3A_271 : memref<128xi32, #tpu.memory_space<vmem>>)
          %dma_start3A_274 = arith.constant 0 : i32
          %dma_start3A_275 = arith.constant 0 : i32
          %dma_start3A_276 = tpu.memref_slice %arg8[%dma_start3A_274, %dma_start3A_275] : memref<2x128xi32, #tpu.memory_space<vmem>> -> memref<1x128xi32, #tpu.memory_space<vmem>>
          %dma_start3A_277 = tpu.memref_squeeze %dma_start3A_276 : memref<1x128xi32, #tpu.memory_space<vmem>> -> memref<128xi32, #tpu.memory_space<vmem>>
          %dma_start3A_278 = arith.constant 0 : i32
          %dma_start3A_279 = arith.constant 0 : i32
          %dma_start3A_280 = tpu.memref_slice %arg2[%dma_start3A_278, %dma_start3A_279] : memref<10000x128xf32, #tpu.memory_space<hbm>> -> memref<10000x128xf32, #tpu.memory_space<hbm>>
          tpu.enqueue_indirect_dma source(%dma_start3A_280 : memref<10000x128xf32, #tpu.memory_space<hbm>>) target(%arg11 : memref<128x128xf32, #tpu.memory_space<vmem>>) offsets(%dma_start3A_277 : memref<128xi32, #tpu.memory_space<vmem>>) semaphore(%arg14 : memref<!tpu.dma_semaphore, #tpu.memory_space<semaphore_mem>>)
        } else {
        }
        %add3A_189 = arith.constant 1 : i32
        %add3A_190 = arith.addi %add3A_141, %add3A_189 : i32
        %dma_wait3A_191 = arith.constant 1 : i32
        %dma_wait3A_192 = arith.constant 0 : i32
        %dma_wait3A_193 = tpu.memref_slice %arg8[%dma_wait3A_191, %dma_wait3A_192] : memref<2x128xi32, #tpu.memory_space<vmem>> -> memref<1x128xi32, #tpu.memory_space<vmem>>
        %dma_wait3A_194 = tpu.memref_squeeze %dma_wait3A_193 : memref<1x128xi32, #tpu.memory_space<vmem>> -> memref<128xi32, #tpu.memory_space<vmem>>
        %dma_wait3A_195 = arith.constant 0 : i32
        %dma_wait3A_196 = arith.constant 0 : i32
        %dma_wait3A_197 = tpu.memref_slice %arg2[%dma_wait3A_195, %dma_wait3A_196] : memref<10000x128xf32, #tpu.memory_space<hbm>> -> memref<10000x128xf32, #tpu.memory_space<hbm>>
        tpu.wait_indirect_dma semaphore(%arg15 : memref<!tpu.dma_semaphore, #tpu.memory_space<semaphore_mem>>) src(%dma_wait3A_197 : memref<10000x128xf32, #tpu.memory_space<hbm>>) dst(%arg12 : memref<128x128xf32, #tpu.memory_space<vmem>>)
        %add3A_198 = arith.constant 2 : i32
        %add3A_199 = arith.addi %add3A_190, %add3A_198 : i32
        %lt3A_200 = arith.constant 80 : i32
        %lt3A_201 = arith.cmpi slt, %add3A_199, %lt3A_200 : i32
        %convert_element_type3A_202 = arith.extui %lt3A_201 : i1 to i32
        %cond3A_203 = arith.constant 0 : i32
        %cond3A_204 = arith.cmpi ne, %convert_element_type3A_202, %cond3A_203 : i32
        scf.if %cond3A_204 {
          %add3A_240 = arith.constant 2 : i32
          %add3A_241 = arith.addi %add3A_190, %add3A_240 : i32
          %mul3A_242 = arith.constant 128 : i32
          %mul3A_243 = arith.muli %add3A_241, %mul3A_242 : i32
          %add3A_244 = arith.addi %add3A_35, %mul3A_243 : i32
          %dma_start3A_245 = arith.constant 1 : i32
          %dma_start3A_246 = arith.constant 0 : i32
          %dma_start3A_247 = tpu.memref_slice %arg8[%dma_start3A_245, %dma_start3A_246] : memref<2x128xi32, #tpu.memory_space<vmem>> -> memref<1x128xi32, #tpu.memory_space<vmem>>
          %dma_start3A_248 = tpu.memref_squeeze %dma_start3A_247 : memref<1x128xi32, #tpu.memory_space<vmem>> -> memref<128xi32, #tpu.memory_space<vmem>>
          %dma_start3A_249 = tpu.memref_slice %arg3[%add3A_244] : memref<327680xi32, #tpu.memory_space<hbm>> -> memref<128xi32, #tpu.memory_space<hbm>>
          %dma_start3A_250 = arith.constant 0 : i32
          %dma_start3A_251 = tpu.memref_slice %arg8[%dma_start3A_245, %dma_start3A_250] : memref<2x128xi32, #tpu.memory_space<vmem>> -> memref<1x128xi32, #tpu.memory_space<vmem>>
          %dma_start3A_252 = tpu.memref_squeeze %dma_start3A_251 : memref<1x128xi32, #tpu.memory_space<vmem>> -> memref<128xi32, #tpu.memory_space<vmem>>
          %dma_start3A_253 = tpu.memref_slice %arg3[%add3A_244] : memref<327680xi32, #tpu.memory_space<hbm>> -> memref<128xi32, #tpu.memory_space<hbm>>
          tpu.enqueue_dma source(%dma_start3A_253 : memref<128xi32, #tpu.memory_space<hbm>>) target(%dma_start3A_252 : memref<128xi32, #tpu.memory_space<vmem>>) target_semaphore(%arg19 : memref<!tpu.dma_semaphore, #tpu.memory_space<semaphore_mem>>)
        } else {
        }
        %dma_wait3A_205 = arith.constant 1 : i32
        %dma_wait3A_206 = arith.constant 0 : i32
        %dma_wait3A_207 = tpu.memref_slice %arg9[%dma_wait3A_205, %dma_wait3A_206] : memref<2x128xi32, #tpu.memory_space<vmem>> -> memref<1x128xi32, #tpu.memory_space<vmem>>
        %dma_wait3A_208 = tpu.memref_squeeze %dma_wait3A_207 : memref<1x128xi32, #tpu.memory_space<vmem>> -> memref<128xi32, #tpu.memory_space<vmem>>
        %dma_wait3A_209 = arith.constant 0 : i32
        %dma_wait3A_210 = tpu.memref_slice %arg4[%dma_wait3A_209] : memref<327680xi32, #tpu.memory_space<hbm>> -> memref<128xi32, #tpu.memory_space<hbm>>
        %dma_wait3A_211 = arith.constant 0 : i32
        %dma_wait3A_212 = tpu.memref_slice %arg9[%dma_wait3A_205, %dma_wait3A_211] : memref<2x128xi32, #tpu.memory_space<vmem>> -> memref<1x128xi32, #tpu.memory_space<vmem>>
        %dma_wait3A_213 = tpu.memref_squeeze %dma_wait3A_212 : memref<1x128xi32, #tpu.memory_space<vmem>> -> memref<128xi32, #tpu.memory_space<vmem>>
        %dma_wait3A_214 = arith.constant 0 : i32
        %dma_wait3A_215 = tpu.memref_slice %arg4[%dma_wait3A_214] : memref<327680xi32, #tpu.memory_space<hbm>> -> memref<128xi32, #tpu.memory_space<hbm>>
        tpu.wait_dma2 semaphore(%arg17 : memref<!tpu.dma_semaphore, #tpu.memory_space<semaphore_mem>>) src(%dma_wait3A_215 : memref<128xi32, #tpu.memory_space<hbm>>) dst(%dma_wait3A_213 : memref<128xi32, #tpu.memory_space<vmem>>)
        %dma_wait3A_216 = arith.constant 1 : i32
        %dma_wait3A_217 = arith.constant 0 : i32
        %dma_wait3A_218 = tpu.memref_slice %arg10[%dma_wait3A_216, %dma_wait3A_217] : memref<2x128xf32, #tpu.memory_space<vmem>> -> memref<1x128xf32, #tpu.memory_space<vmem>>
        %dma_wait3A_219 = tpu.memref_squeeze %dma_wait3A_218 : memref<1x128xf32, #tpu.memory_space<vmem>> -> memref<128xf32, #tpu.memory_space<vmem>>
        %dma_wait3A_220 = arith.constant 0 : i32
        %dma_wait3A_221 = tpu.memref_slice %arg5[%dma_wait3A_220] : memref<327680xf32, #tpu.memory_space<hbm>> -> memref<128xf32, #tpu.memory_space<hbm>>
        %dma_wait3A_222 = arith.constant 0 : i32
        %dma_wait3A_223 = tpu.memref_slice %arg10[%dma_wait3A_216, %dma_wait3A_222] : memref<2x128xf32, #tpu.memory_space<vmem>> -> memref<1x128xf32, #tpu.memory_space<vmem>>
        %dma_wait3A_224 = tpu.memref_squeeze %dma_wait3A_223 : memref<1x128xf32, #tpu.memory_space<vmem>> -> memref<128xf32, #tpu.memory_space<vmem>>
        %dma_wait3A_225 = arith.constant 0 : i32
        %dma_wait3A_226 = tpu.memref_slice %arg5[%dma_wait3A_225] : memref<327680xf32, #tpu.memory_space<hbm>> -> memref<128xf32, #tpu.memory_space<hbm>>
        tpu.wait_dma2 semaphore(%arg17 : memref<!tpu.dma_semaphore, #tpu.memory_space<semaphore_mem>>) src(%dma_wait3A_226 : memref<128xf32, #tpu.memory_space<hbm>>) dst(%dma_wait3A_224 : memref<128xf32, #tpu.memory_space<vmem>>)
        %scan3A_227 = arith.constant 0 : i32
        %scan3A_228 = arith.constant 128 : i32
        %scan3A_229 = arith.addi %scan3A_227, %scan3A_228 : i32
        %scan3A_230 = arith.constant 1 : i32
        scf.for %scan3A_240 = %scan3A_227 to %scan3A_229 step %scan3A_230  : i32 {
          %mul3A_241 = arith.constant 1 : i32
          %mul3A_242 = arith.muli %scan3A_240, %mul3A_241 : i32
          %add3A_243 = arith.constant 0 : i32
          %add3A_244 = arith.addi %add3A_243, %mul3A_242 : i32
          %broadcast_in_dim3A = arith.constant 1 : i32
          %broadcast_in_dim3A_245 = vector.broadcast %broadcast_in_dim3A : i32 to vector<16xi32>
          %broadcast_in_dim3A_246 = vector.broadcast %add3A_244 : i32 to vector<16xi32>
          %gather3A = tpu.vector_load_idx %arg10[%broadcast_in_dim3A_245, %broadcast_in_dim3A_246] : memref<2x128xf32, #tpu.memory_space<vmem>>[vector<16xi32>, vector<16xi32>], vector<16xf32>,
          %get3A = arith.index_cast %add3A_244 : i32 to index
          %get3A_247 = arith.constant 0 : index
          %get3A_248 = tpu.vector_load %arg12[%get3A, %get3A_247] {strides = array<i32>} : memref<128x128xf32, #tpu.memory_space<vmem>>, vector<16xf32>,
          %mul3A_249 = arith.mulf %get3A_248, %gather3A : vector<16xf32>
          %swap3A = arith.index_cast %add3A_244 : i32 to index
          %swap3A_250 = arith.constant 0 : index
          %swap3A_251 = tpu.vector_load %arg12[%swap3A, %swap3A_250] {strides = array<i32>} : memref<128x128xf32, #tpu.memory_space<vmem>>, vector<16xf32>,
          tpu.vector_store %arg12[%swap3A, %swap3A_250], %mul3A_249 {strides = array<i32>} : memref<128x128xf32, #tpu.memory_space<vmem>>, vector<16xf32>,
          %get3A_252 = arith.index_cast %add3A_244 : i32 to index
          %get3A_253 = arith.constant 16 : index
          %get3A_254 = tpu.vector_load %arg12[%get3A_252, %get3A_253] {strides = array<i32>} : memref<128x128xf32, #tpu.memory_space<vmem>>, vector<16xf32>,
          %mul3A_255 = arith.mulf %get3A_254, %gather3A : vector<16xf32>
          %swap3A_256 = arith.index_cast %add3A_244 : i32 to index
          %swap3A_257 = arith.constant 16 : index
          %swap3A_258 = tpu.vector_load %arg12[%swap3A_256, %swap3A_257] {strides = array<i32>} : memref<128x128xf32, #tpu.memory_space<vmem>>, vector<16xf32>,
          tpu.vector_store %arg12[%swap3A_256, %swap3A_257], %mul3A_255 {strides = array<i32>} : memref<128x128xf32, #tpu.memory_space<vmem>>, vector<16xf32>,
          %get3A_259 = arith.index_cast %add3A_244 : i32 to index
          %get3A_260 = arith.constant 32 : index
          %get3A_261 = tpu.vector_load %arg12[%get3A_259, %get3A_260] {strides = array<i32>} : memref<128x128xf32, #tpu.memory_space<vmem>>, vector<16xf32>,
          %mul3A_262 = arith.mulf %get3A_261, %gather3A : vector<16xf32>
          %swap3A_263 = arith.index_cast %add3A_244 : i32 to index
          %swap3A_264 = arith.constant 32 : index
          %swap3A_265 = tpu.vector_load %arg12[%swap3A_263, %swap3A_264] {strides = array<i32>} : memref<128x128xf32, #tpu.memory_space<vmem>>, vector<16xf32>,
          tpu.vector_store %arg12[%swap3A_263, %swap3A_264], %mul3A_262 {strides = array<i32>} : memref<128x128xf32, #tpu.memory_space<vmem>>, vector<16xf32>,
          %get3A_266 = arith.index_cast %add3A_244 : i32 to index
          %get3A_267 = arith.constant 48 : index
          %get3A_268 = tpu.vector_load %arg12[%get3A_266, %get3A_267] {strides = array<i32>} : memref<128x128xf32, #tpu.memory_space<vmem>>, vector<16xf32>,
          %mul3A_269 = arith.mulf %get3A_268, %gather3A : vector<16xf32>
          %swap3A_270 = arith.index_cast %add3A_244 : i32 to index
          %swap3A_271 = arith.constant 48 : index
          %swap3A_272 = tpu.vector_load %arg12[%swap3A_270, %swap3A_271] {strides = array<i32>} : memref<128x128xf32, #tpu.memory_space<vmem>>, vector<16xf32>,
          tpu.vector_store %arg12[%swap3A_270, %swap3A_271], %mul3A_269 {strides = array<i32>} : memref<128x128xf32, #tpu.memory_space<vmem>>, vector<16xf32>,
          %get3A_273 = arith.index_cast %add3A_244 : i32 to index
          %get3A_274 = arith.constant 64 : index
          %get3A_275 = tpu.vector_load %arg12[%get3A_273, %get3A_274] {strides = array<i32>} : memref<128x128xf32, #tpu.memory_space<vmem>>, vector<16xf32>,
          %mul3A_276 = arith.mulf %get3A_275, %gather3A : vector<16xf32>
          %swap3A_277 = arith.index_cast %add3A_244 : i32 to index
          %swap3A_278 = arith.constant 64 : index
          %swap3A_279 = tpu.vector_load %arg12[%swap3A_277, %swap3A_278] {strides = array<i32>} : memref<128x128xf32, #tpu.memory_space<vmem>>, vector<16xf32>,
          tpu.vector_store %arg12[%swap3A_277, %swap3A_278], %mul3A_276 {strides = array<i32>} : memref<128x128xf32, #tpu.memory_space<vmem>>, vector<16xf32>,
          %get3A_280 = arith.index_cast %add3A_244 : i32 to index
          %get3A_281 = arith.constant 80 : index
          %get3A_282 = tpu.vector_load %arg12[%get3A_280, %get3A_281] {strides = array<i32>} : memref<128x128xf32, #tpu.memory_space<vmem>>, vector<16xf32>,
          %mul3A_283 = arith.mulf %get3A_282, %gather3A : vector<16xf32>
          %swap3A_284 = arith.index_cast %add3A_244 : i32 to index
          %swap3A_285 = arith.constant 80 : index
          %swap3A_286 = tpu.vector_load %arg12[%swap3A_284, %swap3A_285] {strides = array<i32>} : memref<128x128xf32, #tpu.memory_space<vmem>>, vector<16xf32>,
          tpu.vector_store %arg12[%swap3A_284, %swap3A_285], %mul3A_283 {strides = array<i32>} : memref<128x128xf32, #tpu.memory_space<vmem>>, vector<16xf32>,
          %get3A_287 = arith.index_cast %add3A_244 : i32 to index
          %get3A_288 = arith.constant 96 : index
          %get3A_289 = tpu.vector_load %arg12[%get3A_287, %get3A_288] {strides = array<i32>} : memref<128x128xf32, #tpu.memory_space<vmem>>, vector<16xf32>,
          %mul3A_290 = arith.mulf %get3A_289, %gather3A : vector<16xf32>
          %swap3A_291 = arith.index_cast %add3A_244 : i32 to index
          %swap3A_292 = arith.constant 96 : index
          %swap3A_293 = tpu.vector_load %arg12[%swap3A_291, %swap3A_292] {strides = array<i32>} : memref<128x128xf32, #tpu.memory_space<vmem>>, vector<16xf32>,
          tpu.vector_store %arg12[%swap3A_291, %swap3A_292], %mul3A_290 {strides = array<i32>} : memref<128x128xf32, #tpu.memory_space<vmem>>, vector<16xf32>,
          %get3A_294 = arith.index_cast %add3A_244 : i32 to index
          %get3A_295 = arith.constant 112 : index
          %get3A_296 = tpu.vector_load %arg12[%get3A_294, %get3A_295] {strides = array<i32>} : memref<128x128xf32, #tpu.memory_space<vmem>>, vector<16xf32>,
          %mul3A_297 = arith.mulf %get3A_296, %gather3A : vector<16xf32>
          %swap3A_298 = arith.index_cast %add3A_244 : i32 to index
          %swap3A_299 = arith.constant 112 : index
          %swap3A_300 = tpu.vector_load %arg12[%swap3A_298, %swap3A_299] {strides = array<i32>} : memref<128x128xf32, #tpu.memory_space<vmem>>, vector<16xf32>,
          tpu.vector_store %arg12[%swap3A_298, %swap3A_299], %mul3A_297 {strides = array<i32>} : memref<128x128xf32, #tpu.memory_space<vmem>>, vector<16xf32>,
        }
        %scan3A_231 = arith.constant 128 : i32
        %run_scoped3A_232 = arith.constant 1 : i32
        "tpu.region"() ({
          %run_scoped3A_240 = tpu.sem_alloc : memref<!tpu.dma_semaphore, #tpu.memory_space<semaphore_mem>>
          %dma_start3A_241 = arith.constant 0 : i32
          %dma_start3A_242 = tpu.memref_slice %arg9[%run_scoped3A_232, %dma_start3A_241] : memref<2x128xi32, #tpu.memory_space<vmem>> -> memref<1x128xi32, #tpu.memory_space<vmem>>
          %dma_start3A_243 = tpu.memref_squeeze %dma_start3A_242 : memref<1x128xi32, #tpu.memory_space<vmem>> -> memref<128xi32, #tpu.memory_space<vmem>>
          %dma_start3A_244 = arith.constant 0 : i32
          %dma_start3A_245 = arith.constant 0 : i32
          %dma_start3A_246 = tpu.memref_slice %arg13[%dma_start3A_244, %dma_start3A_245] : memref<10112x128xf32, #tpu.memory_space<vmem_shared>> -> memref<10112x128xf32, #tpu.memory_space<vmem_shared>>
          tpu.enqueue_indirect_dma source(%arg12 : memref<128x128xf32, #tpu.memory_space<vmem>>) target(%dma_start3A_246 : memref<10112x128xf32, #tpu.memory_space<vmem_shared>>) offsets(%dma_start3A_243 : memref<128xi32, #tpu.memory_space<vmem>>) semaphore(%run_scoped3A_240 : memref<!tpu.dma_semaphore, #tpu.memory_space<semaphore_mem>>) {add = true}
          %dma_wait3A_247 = arith.constant 0 : i32
          %dma_wait3A_248 = tpu.memref_slice %arg9[%run_scoped3A_232, %dma_wait3A_247] : memref<2x128xi32, #tpu.memory_space<vmem>> -> memref<1x128xi32, #tpu.memory_space<vmem>>
          %dma_wait3A_249 = tpu.memref_squeeze %dma_wait3A_248 : memref<1x128xi32, #tpu.memory_space<vmem>> -> memref<128xi32, #tpu.memory_space<vmem>>
          %dma_wait3A_250 = arith.constant 0 : i32
          %dma_wait3A_251 = arith.constant 0 : i32
          %dma_wait3A_252 = tpu.memref_slice %arg13[%dma_wait3A_250, %dma_wait3A_251] : memref<10112x128xf32, #tpu.memory_space<vmem_shared>> -> memref<10112x128xf32, #tpu.memory_space<vmem_shared>>
          tpu.wait_indirect_dma semaphore(%run_scoped3A_240 : memref<!tpu.dma_semaphore, #tpu.memory_space<semaphore_mem>>) src(%arg12 : memref<128x128xf32, #tpu.memory_space<vmem>>) dst(%dma_wait3A_252 : memref<10112x128xf32, #tpu.memory_space<vmem_shared>>)
          tpu.yield
        }) : () -> ()
        %add3A_233 = arith.constant 2 : i32
        %add3A_234 = arith.addi %add3A_190, %add3A_233 : i32
        %lt3A_235 = arith.constant 80 : i32
        %lt3A_236 = arith.cmpi slt, %add3A_234, %lt3A_235 : i32
        %convert_element_type3A_237 = arith.extui %lt3A_236 : i1 to i32
        %cond3A_238 = arith.constant 0 : i32
        %cond3A_239 = arith.cmpi ne, %convert_element_type3A_237, %cond3A_238 : i32
        scf.if %cond3A_239 {
          %add3A_240 = arith.constant 2 : i32
          %add3A_241 = arith.addi %add3A_190, %add3A_240 : i32
          %mul3A_242 = arith.constant 128 : i32
          %mul3A_243 = arith.muli %add3A_241, %mul3A_242 : i32
          %add3A_244 = arith.addi %add3A_35, %mul3A_243 : i32
          %dma_start3A_245 = arith.constant 1 : i32
          %dma_start3A_246 = arith.constant 0 : i32
          %dma_start3A_247 = tpu.memref_slice %arg9[%dma_start3A_245, %dma_start3A_246] : memref<2x128xi32, #tpu.memory_space<vmem>> -> memref<1x128xi32, #tpu.memory_space<vmem>>
          %dma_start3A_248 = tpu.memref_squeeze %dma_start3A_247 : memref<1x128xi32, #tpu.memory_space<vmem>> -> memref<128xi32, #tpu.memory_space<vmem>>
          %dma_start3A_249 = tpu.memref_slice %arg4[%add3A_244] : memref<327680xi32, #tpu.memory_space<hbm>> -> memref<128xi32, #tpu.memory_space<hbm>>
          %dma_start3A_250 = arith.constant 0 : i32
          %dma_start3A_251 = tpu.memref_slice %arg9[%dma_start3A_245, %dma_start3A_250] : memref<2x128xi32, #tpu.memory_space<vmem>> -> memref<1x128xi32, #tpu.memory_space<vmem>>
          %dma_start3A_252 = tpu.memref_squeeze %dma_start3A_251 : memref<1x128xi32, #tpu.memory_space<vmem>> -> memref<128xi32, #tpu.memory_space<vmem>>
          %dma_start3A_253 = tpu.memref_slice %arg4[%add3A_244] : memref<327680xi32, #tpu.memory_space<hbm>> -> memref<128xi32, #tpu.memory_space<hbm>>
          tpu.enqueue_dma source(%dma_start3A_253 : memref<128xi32, #tpu.memory_space<hbm>>) target(%dma_start3A_252 : memref<128xi32, #tpu.memory_space<vmem>>) target_semaphore(%arg17 : memref<!tpu.dma_semaphore, #tpu.memory_space<semaphore_mem>>)
          %dma_start3A_254 = arith.constant 1 : i32
          %dma_start3A_255 = arith.constant 0 : i32
          %dma_start3A_256 = tpu.memref_slice %arg10[%dma_start3A_254, %dma_start3A_255] : memref<2x128xf32, #tpu.memory_space<vmem>> -> memref<1x128xf32, #tpu.memory_space<vmem>>
          %dma_start3A_257 = tpu.memref_squeeze %dma_start3A_256 : memref<1x128xf32, #tpu.memory_space<vmem>> -> memref<128xf32, #tpu.memory_space<vmem>>
          %dma_start3A_258 = tpu.memref_slice %arg5[%add3A_244] : memref<327680xf32, #tpu.memory_space<hbm>> -> memref<128xf32, #tpu.memory_space<hbm>>
          %dma_start3A_259 = arith.constant 0 : i32
          %dma_start3A_260 = tpu.memref_slice %arg10[%dma_start3A_254, %dma_start3A_259] : memref<2x128xf32, #tpu.memory_space<vmem>> -> memref<1x128xf32, #tpu.memory_space<vmem>>
          %dma_start3A_261 = tpu.memref_squeeze %dma_start3A_260 : memref<1x128xf32, #tpu.memory_space<vmem>> -> memref<128xf32, #tpu.memory_space<vmem>>
          %dma_start3A_262 = tpu.memref_slice %arg5[%add3A_244] : memref<327680xf32, #tpu.memory_space<hbm>> -> memref<128xf32, #tpu.memory_space<hbm>>
          tpu.enqueue_dma source(%dma_start3A_262 : memref<128xf32, #tpu.memory_space<hbm>>) target(%dma_start3A_261 : memref<128xf32, #tpu.memory_space<vmem>>) target_semaphore(%arg17 : memref<!tpu.dma_semaphore, #tpu.memory_space<semaphore_mem>>)
          %dma_wait3A_263 = arith.constant 1 : i32
          %dma_wait3A_264 = arith.constant 0 : i32
          %dma_wait3A_265 = tpu.memref_slice %arg8[%dma_wait3A_263, %dma_wait3A_264] : memref<2x128xi32, #tpu.memory_space<vmem>> -> memref<1x128xi32, #tpu.memory_space<vmem>>
          %dma_wait3A_266 = tpu.memref_squeeze %dma_wait3A_265 : memref<1x128xi32, #tpu.memory_space<vmem>> -> memref<128xi32, #tpu.memory_space<vmem>>
          %dma_wait3A_267 = arith.constant 0 : i32
          %dma_wait3A_268 = tpu.memref_slice %arg3[%dma_wait3A_267] : memref<327680xi32, #tpu.memory_space<hbm>> -> memref<128xi32, #tpu.memory_space<hbm>>
          %dma_wait3A_269 = arith.constant 0 : i32
          %dma_wait3A_270 = tpu.memref_slice %arg8[%dma_wait3A_263, %dma_wait3A_269] : memref<2x128xi32, #tpu.memory_space<vmem>> -> memref<1x128xi32, #tpu.memory_space<vmem>>
          %dma_wait3A_271 = tpu.memref_squeeze %dma_wait3A_270 : memref<1x128xi32, #tpu.memory_space<vmem>> -> memref<128xi32, #tpu.memory_space<vmem>>
          %dma_wait3A_272 = arith.constant 0 : i32
          %dma_wait3A_273 = tpu.memref_slice %arg3[%dma_wait3A_272] : memref<327680xi32, #tpu.memory_space<hbm>> -> memref<128xi32, #tpu.memory_space<hbm>>
          tpu.wait_dma2 semaphore(%arg19 : memref<!tpu.dma_semaphore, #tpu.memory_space<semaphore_mem>>) src(%dma_wait3A_273 : memref<128xi32, #tpu.memory_space<hbm>>) dst(%dma_wait3A_271 : memref<128xi32, #tpu.memory_space<vmem>>)
          %dma_start3A_274 = arith.constant 1 : i32
          %dma_start3A_275 = arith.constant 0 : i32
          %dma_start3A_276 = tpu.memref_slice %arg8[%dma_start3A_274, %dma_start3A_275] : memref<2x128xi32, #tpu.memory_space<vmem>> -> memref<1x128xi32, #tpu.memory_space<vmem>>
          %dma_start3A_277 = tpu.memref_squeeze %dma_start3A_276 : memref<1x128xi32, #tpu.memory_space<vmem>> -> memref<128xi32, #tpu.memory_space<vmem>>
          %dma_start3A_278 = arith.constant 0 : i32
          %dma_start3A_279 = arith.constant 0 : i32
          %dma_start3A_280 = tpu.memref_slice %arg2[%dma_start3A_278, %dma_start3A_279] : memref<10000x128xf32, #tpu.memory_space<hbm>> -> memref<10000x128xf32, #tpu.memory_space<hbm>>
          tpu.enqueue_indirect_dma source(%dma_start3A_280 : memref<10000x128xf32, #tpu.memory_space<hbm>>) target(%arg12 : memref<128x128xf32, #tpu.memory_space<vmem>>) offsets(%dma_start3A_277 : memref<128xi32, #tpu.memory_space<vmem>>) semaphore(%arg15 : memref<!tpu.dma_semaphore, #tpu.memory_space<semaphore_mem>>)
        } else {
        }
      }
      %scan3A_136 = arith.constant 40 : i32
    } else {
    }
    %barrier3A_21 = arith.constant 0 : index
    tpu.barrier barrier_id(%barrier3A_21)
    %eq3A_22 = arith.constant 0 : i32
    %eq3A_23 = arith.cmpi eq, %arg0, %eq3A_22 : i32
    %convert_element_type3A_24 = arith.extui %eq3A_23 : i1 to i32
    %cond3A_25 = arith.constant 0 : i32
    %cond3A_26 = arith.cmpi ne, %convert_element_type3A_24, %cond3A_25 : i32
    scf.if %cond3A_26 {
      "tpu.region"() ({
        %run_scoped3A = tpu.sem_alloc : memref<!tpu.dma_semaphore, #tpu.memory_space<semaphore_mem>>
        %dma_start3A = arith.constant 0 : i32
        %dma_start3A_32 = tpu.memref_slice %arg6[%mul3A_0, %dma_start3A] : memref<10112x128xf32, #tpu.memory_space<hbm>> -> memref<632x128xf32, #tpu.memory_space<hbm>>
        %dma_start3A_33 = arith.constant 0 : i32
        %dma_start3A_34 = tpu.memref_slice %arg13[%mul3A_0, %dma_start3A_33] : memref<10112x128xf32, #tpu.memory_space<vmem_shared>> -> memref<632x128xf32, #tpu.memory_space<vmem_shared>>
        tpu.enqueue_dma source(%dma_start3A_34 : memref<632x128xf32, #tpu.memory_space<vmem_shared>>) target(%dma_start3A_32 : memref<632x128xf32, #tpu.memory_space<hbm>>) target_semaphore(%run_scoped3A : memref<!tpu.dma_semaphore, #tpu.memory_space<semaphore_mem>>)
        %dma_wait3A = arith.constant 0 : i32
        %dma_wait3A_35 = tpu.memref_slice %arg6[%mul3A_0, %dma_wait3A] : memref<10112x128xf32, #tpu.memory_space<hbm>> -> memref<632x128xf32, #tpu.memory_space<hbm>>
        %dma_wait3A_36 = arith.constant 0 : i32
        %dma_wait3A_37 = tpu.memref_slice %arg13[%mul3A_0, %dma_wait3A_36] : memref<10112x128xf32, #tpu.memory_space<vmem_shared>> -> memref<632x128xf32, #tpu.memory_space<vmem_shared>>
        tpu.wait_dma2 semaphore(%run_scoped3A : memref<!tpu.dma_semaphore, #tpu.memory_space<semaphore_mem>>) src(%dma_wait3A_37 : memref<632x128xf32, #tpu.memory_space<vmem_shared>>) dst(%dma_wait3A_35 : memref<632x128xf32, #tpu.memory_space<hbm>>)
        tpu.yield
      }) : () -> ()
    } else {
    }
    %eq3A_27 = arith.constant 1 : i32
    %eq3A_28 = arith.cmpi eq, %arg0, %eq3A_27 : i32
    %convert_element_type3A_29 = arith.extui %eq3A_28 : i1 to i32
    %cond3A_30 = arith.constant 0 : i32
    %cond3A_31 = arith.cmpi ne, %convert_element_type3A_29, %cond3A_30 : i32
    scf.if %cond3A_31 {
      "tpu.region"() ({
        %run_scoped3A = tpu.sem_alloc : memref<!tpu.dma_semaphore, #tpu.memory_space<semaphore_mem>>
        %dma_start3A = arith.constant 0 : i32
        %dma_start3A_32 = tpu.memref_slice %arg7[%mul3A_0, %dma_start3A] : memref<10112x128xf32, #tpu.memory_space<hbm>> -> memref<632x128xf32, #tpu.memory_space<hbm>>
        %dma_start3A_33 = arith.constant 0 : i32
        %dma_start3A_34 = tpu.memref_slice %arg13[%mul3A_0, %dma_start3A_33] : memref<10112x128xf32, #tpu.memory_space<vmem_shared>> -> memref<632x128xf32, #tpu.memory_space<vmem_shared>>
        tpu.enqueue_dma source(%dma_start3A_34 : memref<632x128xf32, #tpu.memory_space<vmem_shared>>) target(%dma_start3A_32 : memref<632x128xf32, #tpu.memory_space<hbm>>) target_semaphore(%run_scoped3A : memref<!tpu.dma_semaphore, #tpu.memory_space<semaphore_mem>>)
        %dma_wait3A = arith.constant 0 : i32
        %dma_wait3A_35 = tpu.memref_slice %arg7[%mul3A_0, %dma_wait3A] : memref<10112x128xf32, #tpu.memory_space<hbm>> -> memref<632x128xf32, #tpu.memory_space<hbm>>
        %dma_wait3A_36 = arith.constant 0 : i32
        %dma_wait3A_37 = tpu.memref_slice %arg13[%mul3A_0, %dma_wait3A_36] : memref<10112x128xf32, #tpu.memory_space<vmem_shared>> -> memref<632x128xf32, #tpu.memory_space<vmem_shared>>
        tpu.wait_dma2 semaphore(%run_scoped3A : memref<!tpu.dma_semaphore, #tpu.memory_space<semaphore_mem>>) src(%dma_wait3A_37 : memref<632x128xf32, #tpu.memory_space<vmem_shared>>) dst(%dma_wait3A_35 : memref<632x128xf32, #tpu.memory_space<hbm>>)
        tpu.yield
      }) : () -> ()
    } else {
    }
    return
  }
}

module attributes {stable_mosaic.version = 14 : i64} {
  func.func @_linear_body(%arg0: i32, %arg1: memref<2000x128xf32, #tpu.memory_space<vmem>>, %arg2: memref<128x128xf32, #tpu.memory_space<vmem>>, %arg3: memref<1x128xf32, #tpu.memory_space<vmem>>, %arg4: memref<2000x128xf32, #tpu.memory_space<vmem>>) attributes {dimension_semantics = [#tpu.dimension_semantics<arbitrary>], iteration_bounds = array<i64: 5>, scalar_prefetch = 0 : i64, scratch_operands = 0 : i64, tpu.core_type = #tpu.core_type<tc>, window_params = [{transform_indices = @transform_0, window_bounds = array<i64: 2000, 128>}, {pipeline_mode = #tpu.pipeline_mode<synchronous>, transform_indices = @transform_1, window_bounds = array<i64: 128, 128>}, {pipeline_mode = #tpu.pipeline_mode<synchronous>, transform_indices = @transform_2, window_bounds = array<i64: 1, 128>}, {transform_indices = @transform_3, window_bounds = array<i64: 2000, 128>}]} {
    %get3A = arith.constant 0 : index
    %get3A_0 = arith.constant 0 : index
    %get3A_1 = vector.load %arg1[%get3A, %get3A_0] : memref<2000x128xf32, #tpu.memory_space<vmem>>, vector<2000x128xf32>
    %get3A_2 = arith.constant 0 : index
    %get3A_3 = arith.constant 0 : index
    %get3A_4 = vector.load %arg2[%get3A_2, %get3A_3] : memref<128x128xf32, #tpu.memory_space<vmem>>, vector<128x128xf32>
    %dot_general3A = arith.constant dense<0.000000e+00> : vector<2000x128xf32>
    %dot_general3A_5 = tpu.matmul %get3A_1, %get3A_4, %dot_general3A {dimension_numbers = #tpu.dot_dimension_numbers<[1], [0], [0], [1], [0, 0, 1, 1], [], []>, transpose_lhs_hint = false} : vector<2000x128xf32>, vector<128x128xf32>, vector<2000x128xf32> -> vector<2000x128xf32>
    %get3A_6 = arith.constant 0 : index
    %get3A_7 = arith.constant 0 : index
    %get3A_8 = vector.load %arg3[%get3A_6, %get3A_7] : memref<1x128xf32, #tpu.memory_space<vmem>>, vector<1x128xf32>
    %add3A = vector.broadcast %get3A_8 : vector<1x128xf32> to vector<2000x128xf32>
    %add3A_9 = arith.addf %dot_general3A_5, %add3A : vector<2000x128xf32>
    %swap3A = arith.constant 0 : index
    %swap3A_10 = arith.constant 0 : index
    %swap3A_11 = vector.load %arg4[%swap3A, %swap3A_10] : memref<2000x128xf32, #tpu.memory_space<vmem>>, vector<2000x128xf32>
    tpu.vector_store %arg4[%swap3A, %swap3A_10], %add3A_9 {strides = array<i32>} : memref<2000x128xf32, #tpu.memory_space<vmem>>, vector<2000x128xf32>,
    return
  }
  func.func @transform_0(%arg0: i32) -> (i32, i32) {
    %c0_i32 = arith.constant 0 : i32
    %c0_i32_0 = arith.constant 0 : i32
    return %arg0, %c0_i32 : i32, i32
  }
  func.func @transform_1(%arg0: i32) -> (i32, i32) {
    %c0_i32 = arith.constant 0 : i32
    %c0_i32_0 = arith.constant 0 : i32
    %c0_i32_1 = arith.constant 0 : i32
    return %c0_i32, %c0_i32_0 : i32, i32
  }
  func.func @transform_2(%arg0: i32) -> (i32, i32) {
    %c0_i32 = arith.constant 0 : i32
    %c0_i32_0 = arith.constant 0 : i32
    %c0_i32_1 = arith.constant 0 : i32
    return %c0_i32, %c0_i32_0 : i32, i32
  }
  func.func @transform_3(%arg0: i32) -> (i32, i32) {
    %c0_i32 = arith.constant 0 : i32
    %c0_i32_0 = arith.constant 0 : i32
    return %arg0, %c0_i32 : i32, i32
  }
}

module attributes {stable_mosaic.version = 14 : i64} {
  func.func @_add_body(%arg0: i32, %arg1: memref<2000x128xf32, #tpu.memory_space<vmem>>, %arg2: memref<2000x128xf32, #tpu.memory_space<vmem>>, %arg3: memref<2000x128xf32, #tpu.memory_space<vmem>>) attributes {dimension_semantics = [#tpu.dimension_semantics<arbitrary>], iteration_bounds = array<i64: 5>, scalar_prefetch = 0 : i64, scratch_operands = 0 : i64, tpu.core_type = #tpu.core_type<tc>, window_params = [{transform_indices = @transform_0, window_bounds = array<i64: 2000, 128>}, {transform_indices = @transform_1, window_bounds = array<i64: 2000, 128>}, {transform_indices = @transform_2, window_bounds = array<i64: 2000, 128>}]} {
    %get3A = arith.constant 0 : index
    %get3A_0 = arith.constant 0 : index
    %get3A_1 = vector.load %arg1[%get3A, %get3A_0] : memref<2000x128xf32, #tpu.memory_space<vmem>>, vector<2000x128xf32>
    %get3A_2 = arith.constant 0 : index
    %get3A_3 = arith.constant 0 : index
    %get3A_4 = vector.load %arg2[%get3A_2, %get3A_3] : memref<2000x128xf32, #tpu.memory_space<vmem>>, vector<2000x128xf32>
    %add3A = arith.addf %get3A_1, %get3A_4 : vector<2000x128xf32>
    %swap3A = arith.constant 0 : index
    %swap3A_5 = arith.constant 0 : index
    %swap3A_6 = vector.load %arg3[%swap3A, %swap3A_5] : memref<2000x128xf32, #tpu.memory_space<vmem>>, vector<2000x128xf32>
    tpu.vector_store %arg3[%swap3A, %swap3A_5], %add3A {strides = array<i32>} : memref<2000x128xf32, #tpu.memory_space<vmem>>, vector<2000x128xf32>,
    return
  }
  func.func @transform_0(%arg0: i32) -> (i32, i32) {
    %c0_i32 = arith.constant 0 : i32
    %c0_i32_0 = arith.constant 0 : i32
    return %arg0, %c0_i32 : i32, i32
  }
  func.func @transform_1(%arg0: i32) -> (i32, i32) {
    %c0_i32 = arith.constant 0 : i32
    %c0_i32_0 = arith.constant 0 : i32
    return %arg0, %c0_i32 : i32, i32
  }
  func.func @transform_2(%arg0: i32) -> (i32, i32) {
    %c0_i32 = arith.constant 0 : i32
    %c0_i32_0 = arith.constant 0 : i32
    return %arg0, %c0_i32 : i32, i32
  }
}

</mosaic_0001>

<sc_bundles>
// kernel: kernel.5.cloned.1.call-start
scs
__scs_entry_jumppad:
0x0: {  	(pc) =	sbr.rel $0x88, $3  }
0x1: {  	(tag) =	ssettag $0x0;
	lr =	simm.s32 $0x1  }
0x2: {  	[smem:$0x3F9C] =	sst lr;
	_ =	strace $0xD0000000  }
0x3: {  	_ = 	snop  }
0x4: {  	_ = 	snop  }
0x5: {  	_ = 	snop  }
0x6: {  	_ = 	snop  }
0x7: {  	_ = 	snop  }
__scs_overlays_trampoline_lowered:
0x8: {  	[smem:$0x3FAB] =	sst s0  }
0x9: {  	[smem:$0x3FAC] =	sst s1  }
0xa: {  	[smem:$0x3FAD] =	sst s2  }
0xb: {  	[smem:$0x3FAE] =	sst s3  }
0xc: {  	[smem:$0x3FAF] =	sst s4  }
0xd: {  	[smem:$0x3FB0] =	sst s5  }
0xe: {  	[smem:$0x3FB1] =	sst s6  }
0xf: {  	[smem:$0x3FB2] =	sst s7  }
0x10: {  	[smem:$0x3FB3] =	sst s8  }
0x11: {  	[smem:$0x3FB4] =	sst s9;
	s0 =	simm.s32 @!p0 $0x0  }
0x12: {  	s1 =	sld [smem:$0x3F9A];
	s0 =	simm.s32 @p0 $0x1  }
0x13: {  	[smem:$0x3FB5] =	sst s0;
	s0 =	simm.s32 @!p1 $0x0  }
0x14: {  	s2 =	sld [smem:$0x3F99];
	s0 =	simm.s32 @p1 $0x1  }
0x15: {  	[smem:$0x3FB6] =	sst s0;
	s0 =	simm.s32 @!p2 $0x0  }
0x16: {  	s3 =	sld [smem:$0x3FDB];
	s0 =	simm.s32 @p2 $0x1  }
0x17: {  	s4 =	simm.s32 $0x1BF5;
	[smem:$0x3FB8] =	sst s0  }
0x18: {  	s0 =	sld [smem:$0x3F9B];
	_ =	swait.ge [sflag:s4], $0x0  }
0x19: {  	s7 =	sld [smem:$0x3F9C]  }
0x1a: {  	s8 =	sadd.s32 $0xFFFFE003, lr  }
0x1b: {  	s9 =	sadd.s32 $0xFFFFFEF7, lr;
	s5 =	simm.s32 $0xFFFFFFFF;
	p2 =	slt.u32 s8, $0xFFFFF086  }
0x1c: {  	p1 =	slt.u32 s9, $0xF7A;
	s5 =	simm.s32 @!p2 $0x0  }
0x1d: {  	s5 =	simm.s32 @p1 $0x1;
	p0 =	seq.s32 s7, s2  }
0x1e: {  	s7 =	smul.u32 @!p0 $0xF7A, s2;
	p2 =	seq.s32 @!p0 s5, $0x0  }
0x1f: {  	s9 =	smul.u32 $0xF7A, s1;
	s8 =	simm.s32 @!p0 $0x1BF5;
	p2 =	por !p2, p0  }
0x20: {  	[sflag:s8] =	ssyncset.s32 @!p0 $0xFFFFF086;
	s6 =	sadd.s32 @!p0 s3, s7;
	s7 =	simm.s32 @!p0 $0x108  }
0x21: {  	s3 =	sadd.s32 s3, s9;
	s6 =	sadd.s32 @!p0 $0x88, s6;
	s7 =	simm.s32 @p2 $0x1082  }
0x22: {  	[simem:s7], [sflag:s8] =	dma.local @!p0 [hbm:s6], $0xF7A  }
0x23: {  	s9 =	sor.u32 $0xD0000000, s2;
	s6 =	simm.s32 $0x108;
	_ =	swait.ge @!p0 [sflag:s8], $0x0  }
0x24: {  	s3 =	sadd.s32 $0x88, s3;
	s6 =	simm.s32 @!p1 $0x1082;
	[sflag:s4] =	ssyncset.s32 $0xFFFFF086  }
0x25: {  	[simem:s6], [sflag:s4] =	dma.local [hbm:s3], $0xF7A  }
0x26: {  	[smem:$0x3F9C] =	sst s1;
	(tag) =	ssettag s2;
	_ =	strace s9  }
0x27: {  	s1 =	sld [smem:$0x3FAC]  }
0x28: {  	s2 =	sld [smem:$0x3FAD]  }
0x29: {  	s4 =	sld [smem:$0x3FAF]  }
0x2a: {  	p0 =	seq.s32 s5, $0x0;
	s5 =	sld [smem:$0x3FB0]  }
0x2b: {  	s6 =	sld [smem:$0x3FB1]  }
0x2c: {  	s7 =	sld [smem:$0x3FB2]  }
0x2d: {  	s3 =	simm.s32 $0x108;
	s8 =	sld [smem:$0x3FB3]  }
0x2e: {  	s3 =	simm.s32 @!p0 $0x1082;
	s9 =	sld [smem:$0x3FB4]  }
0x2f: {  	lr =	sadd.s32 s0, s3;
	s0 =	sld [smem:$0x3FAB]  }
0x30: {  	s3 =	sld [smem:$0x3FAE]  }
0x31: {  	[smem:$0x3FB7] =	sst s10  }
0x32: {  	s10 =	sld [smem:$0x3FB5];
	_ =	sdelay $0x3  }
0x33: {  	p0 =	seq.s32 s10, $0x1;
	s10 =	sld [smem:$0x3FB7];
	_ =	sdelay $0x3  }
0x34: {  	[smem:$0x3FB7] =	sst s10  }
0x35: {  	s10 =	sld [smem:$0x3FB6];
	_ =	sdelay $0x3  }
0x36: {  	p1 =	seq.s32 s10, $0x1;
	s10 =	sld [smem:$0x3FB7];
	_ =	sdelay $0x3  }
0x37: {  	[smem:$0x3FB7] =	sst s10  }
0x38: {  	s10 =	sld [smem:$0x3FB8]  }
0x39: {  	_ = 	snop;
	(pc) =	sbr.ind lr, $3  }
0x3a: {  	_ = 	snop  }
0x3b: {  	_ = 	snop  }
0x3c: {  	p2 =	seq.s32 s10, $0x1;
	s10 =	sld [smem:$0x3FB7]  }
0x3d: {  	_ =	shalt  }
0x3e: {  	_ =	shalt  }
0x3f: {  	_ =	shalt  }
0x40: {  	_ =	shalt  }
0x41: {  	_ =	shalt  }
0x42: {  	_ =	shalt  }
0x43: {  	_ =	shalt  }
0x44: {  	_ =	shalt  }
0x45: {  	_ =	shalt  }
0x46: {  	_ =	shalt  }
0x47: {  	_ =	shalt  }
0x48: {  	_ =	shalt  }
0x49: {  	_ =	shalt  }
0x4a: {  	_ =	shalt  }
0x4b: {  	_ =	shalt  }
0x4c: {  	_ =	shalt  }
0x4d: {  	_ =	shalt  }
0x4e: {  	_ =	shalt  }
0x4f: {  	_ =	shalt  }
0x50: {  	_ =	shalt  }
0x51: {  	_ =	shalt  }
0x52: {  	_ =	shalt  }
0x53: {  	_ =	shalt  }
0x54: {  	_ =	shalt  }
0x55: {  	_ =	shalt  }
0x56: {  	_ =	shalt  }
0x57: {  	_ =	shalt  }
0x58: {  	_ =	shalt  }
0x59: {  	_ =	shalt  }
0x5a: {  	_ =	shalt  }
0x5b: {  	_ =	shalt  }
0x5c: {  	_ =	shalt  }
0x5d: {  	_ =	shalt  }
0x5e: {  	_ =	shalt  }
0x5f: {  	_ =	shalt  }
0x60: {  	_ =	shalt  }
0x61: {  	_ =	shalt  }
0x62: {  	_ =	shalt  }
0x63: {  	_ =	shalt  }
0x64: {  	_ =	shalt  }
0x65: {  	_ =	shalt  }
0x66: {  	_ =	shalt  }
0x67: {  	_ =	shalt  }
0x68: {  	_ =	shalt  }
0x69: {  	_ =	shalt  }
0x6a: {  	_ =	shalt  }
0x6b: {  	_ =	shalt  }
0x6c: {  	_ =	shalt  }
0x6d: {  	_ =	shalt  }
0x6e: {  	_ =	shalt  }
0x6f: {  	_ =	shalt  }
0x70: {  	_ =	shalt  }
0x71: {  	_ =	shalt  }
0x72: {  	_ =	shalt  }
0x73: {  	_ =	shalt  }
0x74: {  	_ =	shalt  }
0x75: {  	_ =	shalt  }
0x76: {  	_ =	shalt  }
0x77: {  	_ =	shalt  }
0x78: {  	_ =	shalt  }
0x79: {  	_ =	shalt  }
0x7a: {  	_ =	shalt  }
0x7b: {  	_ =	shalt  }
0x7c: {  	_ =	shalt  }
0x7d: {  	_ =	shalt  }
0x7e: {  	_ =	shalt  }
0x7f: {  	_ =	shalt  }
0x80: {  	_ =	shalt  }
0x81: {  	_ =	shalt  }
0x82: {  	_ =	shalt  }
0x83: {  	_ =	shalt  }
0x84: {  	_ =	shalt  }
0x85: {  	_ =	shalt  }
0x86: {  	_ =	shalt  }
0x87: {  	_ =	shalt  }
.Lfunc_end0:
.L_simem_size_0:
called_computation_lowered:
.L_overlay_start_0:
0x88: {  	s2 =	sld [smem:$0x3FD9]  }
0x89: {  	s3 =	sld [smem:$0x3FFE];
	_ =	sdelay $0x1  }
0x8a: {  	s1 =	srdreg.scid  }
0x8b: {  	s0 =	sand.u32 $0x1, s1  }
0x8c: {  	s17 =	sshll.u32 s0, $0xA;
	s2 =	sadd.s32 s3, s2  }
0x8d: {  	s2 =	sadd.s32 s2, s17  }
0x8e: {  	[smem:$0x3FC3] =	sst s2  }
0x8f: {  	_ = 	snop  }
0x90: {  	s2 =	sld [smem:$0x3FD0];
	(tm) =	ssettm $0x1  }
0x91: {  	s18 =	sld [smem:$0x3FFB];
	_ =	sdelay $0x3  }
0x92: {  	_ =	strace s18  }
0x93: {  	s3 =	sld [smem:$0x3FFC];
	_ =	sdelay $0x3  }
0x94: {  	_ =	strace s3  }
0x95: {  	s3 =	sld [smem:$0x3FFD];
	_ =	sdelay $0x3  }
0x96: {  	_ =	strace s3  }
0x97: {  	_ =	strace $0x8FFFFFFF  }
0x98: {  	s19 =	sld [smem:$0x3FDB];
	_ =	sdelay $0x1  }
0x99: {  	s4 =	simm.s32 $_scs_section_size  }
0x9a: {  	s5 =	simm.s32 $_size__tile_overlayer_lowered;
	s6 =	simm.s32 $_tile_overlayer_lowered  }
0x9b: {  	s22 =	simm.s32 $0x1BFF;
	s21 =	sshll.u32 s6, $0x1;
	s3 =	sadd.s32 s4, s19  }
0x9c: {  	s7 =	simm.s32 $0x0;
	s20 =	sshll.u32 s5, $0x1;
	s5 =	sadd.s32 s21, s3  }
0x9d: {  	[timem:s7], [sflag:s22] =	dma.local [hbm:s5], s20  }
0x9e: {  	_ =	swait.ge [sflag:s22], s20  }
0x9f: {  	s4 =	ssub.s32 $0x0, s20;
	[sflag:s22] =	ssyncset.done $0x0  }
0xa0: {  	[sflag:s22] =	ssyncadd.s32 s4;
	_ =	sdelay $0x1  }
0xa1: {  	s23 =	simm.s32 $0x1B8B  }
0xa2: {  	_ =	swait.ge [sflag:s23], $0x1  }
0xa3: {  	[sflag:s23] =	ssyncset.done $0x0  }
0xa4: {  	s25 =	simm.s32 $0x1B8E;
	s24 =	sld [smem:$0x3FFE];
	[sflag:s23] =	ssyncadd.s32 $0xFFFFFFFF  }
0xa5: {  	s26 =	simm.s32 $execute0_lowered;
	[smem:$0x3FD2] =	sst s25  }
0xa6: {  	s5 =	sshll.u32 s26, $0x1;
	_ =	strace $0x80000046;
	[dreg:$0x1] =	wrdreg $0xFFFFFFFF  }
0xa7: {  	s28 =	simm.s32 $_size_execute0_lowered;
	s3 =	sadd.s32 s3, s5;
	[dreg:$0x0] =	wrdreg $0x0  }
0xa8: {  	s5 =	sshll.u32 s28, $0x1;
	[dreg:$0x2] =	wrdreg s3  }
0xa9: {  	[dreg:$0x3] =	wrdreg s5  }
0xaa: {  	[dreg:$0x4] =	wrdreg $0xC0  }
0xab: {  	_ =	task [dreg:s7], $0x5FFFF  }
0xac: {  	[dreg:$0x1] =	wrdreg $0xFFFFFFFF  }
0xad: {  	[dreg:$0x0] =	wrdreg $0x60  }
0xae: {  	[dreg:$0x2] =	wrdreg s2  }
0xaf: {  	[dreg:$0x3] =	wrdreg s24  }
0xb0: {  	[dreg:$0x4] =	wrdreg $0x83000  }
0xb1: {  	[dreg:$0x5] =	wrdreg $0x9  }
0xb2: {  	_ =	task.clear_ibuf [dreg:s7], $0x6FFFF;
	_ =	strace $0x90000046  }
0xb3: {  	s29 =	simm.s32 $0x9;
	_ =	strace $0x80000048  }
0xb4: {  	_ =	swait.ge [sflag:s29], $0x1  }
0xb5: {  	[sflag:s29] =	ssyncadd.s32 $0xFFFFFFFF  }
0xb6: {  	_ =	strace $0x90000048  }
0xb7: {  	_ =	sfence  }
0xb8: {  	s30 =	sld [smem:$0x0];
	_ =	sdelay $0x2  }
0xb9: {  	s31 =	sshll.u32 s1, $0xD;
	s1 =	sshrl.u32 s1, $0x2  }
0xba: {  	s3 =	sand.u32 $0x4000, s31;
	s1 =	sadd.s32 s1, s30  }
0xbb: {  	s0 =	sor.u32 s3, s0;
	s1 =	sshll.u32 s1, $0x11  }
0xbc: {  	s0 =	sor.u32 s1, s0  }
0xbd: {  	s0 =	sadd.s32 $0x8F2B, s0  }
0xbe: {  	[sflag:s0] =	ssyncadd.remote.s32 $0x1  }
0xbf: {  	_ =	sfence.sel $0xFFFF  }
0xc0: {  	[dreg:$0x0] =	wrdreg $0xFFFFFFFF;
	(pc) =	sbr.abs _section_cstart, $3  }
0xc1: {  	[dreg:$0x1] =	wrdreg $0xFFFFFFFF  }
0xc2: {  	_ =	task.clear_ibuf [dreg:s7], $0x2FFFF;
	_ =	strace $0x9FFFFFFF  }
0xc3: {  	(tm) =	ssettm $0x7FFFFFFF  }
tec
execute0_lowered:
.L_overlay_start_1:
0x0: {  	(tag) =	ssettag $0x1  }
0x1: {  	s1 =	rddreg [dreg:$0x0]  }
0x2: {  	s0 =	rddreg [dreg:$0x1]  }
0x3: {  	s2 =	rddreg [dreg:$0x2];
	s3 =	simm.s32 $0x0;
	s4 =	srdreg.scid  }
0x4: {  	s15 =	stileid.u32;
	[smem:$0x7FF] =	sst s3;
	s5 =	sadd.s32 $0x15400, s0  }
0x5: {  	s6 =	sadd.s32 $0xB400, s0;
	s7 =	sadd.s32 $0x1400, s0;
	s4 =	sand.u32 $0x1, s4  }
0x6: {  	s8 =	sadd.s32 $0x1F400, s0;
	s9 =	smul.u32 $0x2800, s15;
	s0 =	sadd.s32 $0x46C00, s0  }
0x7: {  	s10 =	smul.u32 $0x4F000, s15;
	_ =	strace $0x80000047;
	[dreg:$0x4] =	wrdreg s8  }
0x8: {  	s26 =	ssub.s32 $0x2, s4;
	[dreg:$0x5] =	wrdreg s0;
	s29 =	sshrl.u32 s9, $0x3  }
0x9: {  	p0 =	sne.s32 s4, $0x0;
	s28 =	sshrl.u32 s26, $0x1;
	s20 =	sadd.s32 s5, s29  }
0xa: {  	s11 =	sadd.s32 $0x28000, s9;
	s23 =	sadd.s32 s6, s29;
	[dreg:$0xc] =	wrdreg s20  }
0xb: {  	s13 =	sshrl.u32 s11, $0x3;
	s8 =	sadd.s32 s7, s29;
	[dreg:$0xe] =	wrdreg s23  }
0xc: {  	s14 =	sadd.s32 $0x5010, s29;
	s30 =	sadd.s32 s5, s13;
	[dreg:$0xf] =	wrdreg s8  }
0xd: {  	s10 =	sshrl.u32 s10, $0x2;
	s31 =	sadd.s32 s5, s14;
	[dreg:$0x6] =	wrdreg s30  }
0xe: {  	s0 =	ssub.s32 s26, s28;
	s16 =	sadd.s32 s6, s13;
	[dreg:$0x7] =	wrdreg s31  }
0xf: {  	s12 =	sadd.s32 s10, s2;
	s17 =	sadd.s32 s7, s13;
	[dreg:$0x8] =	wrdreg s16  }
0x10: {  	s21 =	sor.u32 $0x10, s29;
	s18 =	sadd.s32 s6, s14;
	[dreg:$0x9] =	wrdreg s17  }
0x11: {  	s10 =	simm.s32 $0x80;
	s19 =	sadd.s32 s7, s14;
	[dreg:$0xa] =	wrdreg s18  }
0x12: {  	s22 =	sadd.s32 s5, s21;
	s24 =	sadd.s32 s6, s21;
	[dreg:$0xb] =	wrdreg s19  }
0x13: {  	s25 =	sadd.s32 s7, s21;
	s0 =	smax.u32 s0, $0x1;
	[dreg:$0xd] =	wrdreg s22  }
0x14: {  	s26 =	sadd.s32 $0x4000, s12;
	s28 =	sadd.s32 $0x8000, s12;
	[dreg:$0x10] =	wrdreg s24  }
0x15: {  	s29 =	sadd.s32 $0xC000, s12;
	s8 =	simm.s32 $0x7;
	[dreg:$0x11] =	wrdreg s25  }
0x16: {  	s13 =	simm.s32 $0x100;
	s14 =	simm.s32 $0x200;
	[dreg:$0x12] =	wrdreg s0  }
0x17: {  	s20 =	simm.s32 $0x1;
	s21 =	simm.s32 $0x3;
	[dreg:$0x13] =	wrdreg s26  }
.Ltmp0:
0x18: {  	s23 =	simm.s32 $0x4;
	[dreg:$0x14] =	wrdreg s28;
	(pc) =	sbr.rel .LBB2_1-.Ltmp0, $4  }
0x19: {  	[dreg:$0x15] =	wrdreg s29;
	s30 =	sadd.s32 $0x10000, s12;
	s31 =	smul.u32 $0x2780, s15  }
0x1a: {  	s0 =	simm.s32 $0x4300;
	s15 =	simm.s32 $0x180;
	s16 =	simm.s32 $0x280  }
0x1b: {  	s18 =	simm.s32 $0x300;
	s19 =	simm.s32 $0x6;
	[dreg:$0x16] =	wrdreg s30  }
0x1c: {  	v0 =	vimm.f32 $0.0e+00;
	s22 =	simm.s32 $0x2;
	s24 =	simm.s32 $0x0;
	[dreg:$0x17] =	wrdreg s31  }
.LBB2_18:
0x1d: {  	s4 =	rddreg [dreg:$0x5]  }
.LBB2_19:
0x1e: {  	s17 =	rddreg [dreg:$0x17];
	s30 =	stileid.u32  }
0x1f: {  	s4 =	sadd.s32 s4, s17;
	s17 =	sshll.u32 s30, $0x6  }
0x20: {  	[bflag:$0x0] =	sbarrier.arrive $0xFFFF;
	s25 =	sshrl.u32 s12, $0x3;
	s17 =	sor.u32 $0x1C07, s17  }
0x21: {  	[hbm:s4], [sflag:s17] =	dma.local [spmem:s25], $0x2780  }
0x22: {  	_ =	swait.ge [sflag:s8], $0x2780  }
0x23: {  	s24 =	sadd.s32 $0x1, s24;
	s31 =	rddreg [dreg:$0x12]  }
0x24: {  	p1 =	sne.s32 s24, s31  }
.Ltmp1:
0x25: {  	_ = 	snop;
	(pc) =	sbr.rel @!p1 .LBB2_20-.Ltmp1, $3  }
0x26: {  	_ =	sdelay $0x1  }
0x27: {  	[sflag:s8] =	ssyncset.done $0x0  }
0x28: {  	[sflag:s8] =	ssyncadd.s32 $0xFFFFD880  }
.LBB2_1:
0x29: {  	s4 =	simm.s32 $0x0;
	s25 =	simm.s32 $0x200  }
.LBB2_2:
0x2a: {  	p1 =	sne.s32 s25, $0xFE00;
	[tilespmem:s4+$0x4370] =	vst v0  }
0x2b: {  	[tilespmem:s4+$0x4300] =	vst v0  }
0x2c: {  	[tilespmem:s4+$0x4310] =	vst v0  }
.Ltmp2:
0x2d: {  	[tilespmem:s4+$0x4320] =	vst v0;
	(pc) =	sbr.rel @p1 .LBB2_2-.Ltmp2, $4  }
0x2e: {  	[tilespmem:s4+$0x4330] =	vst v0  }
0x2f: {  	[tilespmem:s4+$0x4340] =	vst v0  }
0x30: {  	[tilespmem:s4+$0x4350] =	vst v0  }
0x31: {  	[tilespmem:s4+$0x4360] =	vst v0;
	s4 =	sshra.s32 s25, $0x2;
	s25 =	sadd.s32 $0x200, s25  }
0x32: {  	[tilespmem:s4+$0x4370] =	vst v0  }
0x33: {  	[tilespmem:s4+$0x4300] =	vst v0  }
0x34: {  	[tilespmem:s4+$0x4310] =	vst v0  }
0x35: {  	[tilespmem:s4+$0x4320] =	vst v0  }
0x36: {  	[tilespmem:s4+$0x4330] =	vst v0  }
0x37: {  	[tilespmem:s4+$0x4340] =	vst v0  }
0x38: {  	[tilespmem:s4+$0x4350] =	vst v0  }
0x39: {  	[tilespmem:s4+$0x4360] =	vst v0  }
0x3a: {  	[spmem:s12] =	stream.linear.scatter [tilespmem:s0], [sflag:$0x7], $0x4000, $0x38;
	[tilespmem:$0x1BF00] =	vst v63  }
0x3b: {  	_ =	swait.ge [sflag:s8], $0x4000  }
0x3c: {  	[sflag:s8] =	ssyncset.done $0x0  }
0x3d: {  	s28 =	rddreg [dreg:$0x13];
	[sflag:s8] =	ssyncadd.s32 $0xFFFFC000  }
0x3e: {  	[spmem:s28] =	stream.linear.scatter [tilespmem:s0], [sflag:$0x7], $0x4000, $0x38;
	[tilespmem:$0x1BF00] =	vst v63  }
0x3f: {  	_ =	swait.ge [sflag:s8], $0x4000  }
0x40: {  	[sflag:s8] =	ssyncset.done $0x0  }
0x41: {  	s29 =	rddreg [dreg:$0x14];
	[sflag:s8] =	ssyncadd.s32 $0xFFFFC000  }
0x42: {  	[spmem:s29] =	stream.linear.scatter [tilespmem:s0], [sflag:$0x7], $0x4000, $0x38;
	[tilespmem:$0x1BF00] =	vst v63  }
0x43: {  	_ =	swait.ge [sflag:s8], $0x4000  }
0x44: {  	[sflag:s8] =	ssyncset.done $0x0  }
0x45: {  	s30 =	rddreg [dreg:$0x15];
	[sflag:s8] =	ssyncadd.s32 $0xFFFFC000  }
0x46: {  	[spmem:s30] =	stream.linear.scatter [tilespmem:s0], [sflag:$0x7], $0x4000, $0x38;
	[tilespmem:$0x1BF00] =	vst v63  }
0x47: {  	_ =	swait.ge [sflag:s8], $0x4000  }
0x48: {  	[sflag:s8] =	ssyncset.done $0x0  }
0x49: {  	s31 =	rddreg [dreg:$0x16];
	[sflag:s8] =	ssyncadd.s32 $0xFFFFC000  }
0x4a: {  	[spmem:s31] =	stream.linear.scatter [tilespmem:s0], [sflag:$0x7], $0x3C00, $0x38;
	[tilespmem:$0x1BF00] =	vst v63  }
.Ltmp3:
0x4b: {  	_ =	swait.ge [sflag:s8], $0x3C00;
	(pc) =	sbr.rel @p0 .LBB2_12-.Ltmp3, $4  }
0x4c: {  	[sflag:s8] =	ssyncset.done $0x0  }
0x4d: {  	[sflag:s8] =	ssyncadd.s32 $0xFFFFC400  }
0x4e: {  	[bflag:$0x0] =	sbarrier.arrive $0xFFFF  }
0x4f: {  	s4 =	simm.s32 $0x0  }
0x50: {  	s17 =	rddreg [dreg:$0xc]  }
0x51: {  	[tilespmem:s4], [sflag:$0x5] =	stream.linear.gather [hbm4b:s17+s4], $0x80, $0x38;
	[tilespmem:$0x1BF00] =	vst v63  }
0x52: {  	s25 =	rddreg [dreg:$0xd]  }
0x53: {  	[tilespmem:s10], [sflag:$0x6] =	stream.linear.gather [hbm4b:s25+s4], $0x80, $0x38;
	[tilespmem:$0x1BF00] =	vst v63  }
0x54: {  	s26 =	rddreg [dreg:$0xe]  }
0x55: {  	[tilespmem:s13], [sflag:$0x3] =	stream.linear.gather [hbm4b:s26+s4], $0x80, $0x38;
	[tilespmem:$0x1BF00] =	vst v63  }
0x56: {  	s28 =	rddreg [dreg:$0xf]  }
0x57: {  	[tilespmem:s14], [sflag:$0x3] =	stream.linear.gather [hbm4b:s28+s4], $0x80, $0x38;
	[tilespmem:$0x1BF00] =	vst v63  }
0x58: {  	s29 =	rddreg [dreg:$0x10]  }
0x59: {  	[tilespmem:s15], [sflag:$0x4] =	stream.linear.gather [hbm4b:s29+s4], $0x80, $0x38;
	[tilespmem:$0x1BF00] =	vst v63  }
0x5a: {  	s30 =	rddreg [dreg:$0x11];
	s31 =	simm.s32 $0x5  }
0x5b: {  	[tilespmem:s16], [sflag:$0x4] =	stream.linear.gather [hbm4b:s30+s4], $0x80, $0x38;
	[tilespmem:$0x1BF00] =	vst v63  }
0x5c: {  	_ =	swait.ge [sflag:s31], $0x80  }
0x5d: {  	[sflag:s31] =	ssyncset.done $0x0  }
0x5e: {  	[sflag:s31] =	ssyncadd.s32 $0xFFFFFF80  }
0x5f: {  	[tilespmem:s18], [sflag:$0x1] =	stream.indirect.gather [hbm4b:s1+s10], $0x80, s4, s10, $0xb8;
	[tilespmem:$0x1BF00] =	vst v63  }
0x60: {  	_ =	swait.ge [sflag:s19], $0x80  }
0x61: {  	[sflag:s19] =	ssyncset.done $0x0  }
0x62: {  	s25 =	simm.s32 $0x0;
	[sflag:s19] =	ssyncadd.s32 $0xFFFFFF80  }
0x63: {  	[tilespmem:s0], [sflag:$0x2] =	stream.indirect.gather [hbm4b:s1+s10], $0x80, s10, s10, $0xb8;
	[tilespmem:$0x1BF00] =	vst v63  }
.LBB2_5:
0x64: {  	s26 =	sshll.u32 s25, $0x1  }
0x65: {  	p1 =	seq.s32 s25, $0x27;
	s28 =	sadd.s32 $0x2, s26  }
0x66: {  	s28 =	sshll.u32 @!p1 s28, $0x7  }
0x67: {  	_ =	swait.ge [sflag:s20], $0x4000;
	s28 =	sadd.s32 @!p1 s9, s28  }
0x68: {  	[sflag:s20] =	ssyncset.done $0x0;
	s28 =	sshrl.u32 @!p1 s28, $0x3  }
0x69: {  	s30 =	simm.s32 @!p1 $0x0;
	[sflag:s20] =	ssyncadd.s32 $0xFFFFC000;
	s29 =	sadd.s32 @!p1 s5, s28  }
0x6a: {  	[tilespmem:s30], [sflag:$0x5] =	stream.linear.gather @!p1 [hbm4b:s29+s30], $0x80, $0x38;
	[tilespmem:$0x1BF00] =	vst v63  }
0x6b: {  	_ =	swait.ge [sflag:s21], $0x80  }
0x6c: {  	[sflag:s21] =	ssyncset.done $0x0  }
0x6d: {  	[sflag:s21] =	ssyncadd.s32 $0xFFFFFF80  }
0x6e: {  	_ =	swait.ge [sflag:s21], $0x80  }
0x6f: {  	v1 =	vmov s4;
	[sflag:s21] =	ssyncset.done $0x0  }
0x70: {  	s29 =	simm.s32 $0x340;
	[sflag:s21] =	ssyncadd.s32 $0xFFFFFF80  }
0x71: {  	v5 =	vld [tilespmem:s29+$0x30]  }
0x72: {  	v8 =	vld [tilespmem:s29+$0x10]  }
0x73: {  	v6 =	vld [tilespmem:s29+$0xFFFFFFC0]  }
0x74: {  	v2 =	vld.idx.msk [tilespmem:v1+s14+$0x0], $0xffff  }
0x75: {  	v10 =	vld [tilespmem:s29+$0xFFFFFFE0]  }
0x76: {  	v1 =	vld [tilespmem:s29+$0xFFFFFFF0]  }
0x77: {  	v3 =	vld [tilespmem:s29+$0x20]  }
0x78: {  	v4 =	vld [tilespmem:s29+$0xFFFFFFD0]  }
0x79: {  	v9 =	vmul.f32 v5, v2;
	v5 =	vld [tilespmem:s29+$0x0]  }
0x7a: {  	v7 =	vmul.f32 v6, v2  }
0x7b: {  	s31 =	simm.s32 $0x340;
	s30 =	simm.s32 $0x1;
	v6 =	vmul.f32 v10, v2;
	v8 =	vmul.f32 v8, v2  }
.LBB2_6:
0x7c: {  	p2 =	sne.s32 s30, $0x7F  }
0x7d: {  	v4 =	vmul.f32 v4, v2;
	v3 =	vmul.f32 v3, v2;
	[tilespmem:s29+$0x30] =	vst v9;
	s31 =	sadd.s32 $0x80, s31;
	s17 =	smov.u32 s30;
	s30 =	sadd.s32 $0x1, s30  }
0x7e: {  	[tilespmem:s29+$0xFFFFFFC0] =	vst v7;
	v7 =	vmul.f32 v1, v2;
	v2 =	vmul.f32 v5, v2  }
0x7f: {  	[tilespmem:s29+$0x10] =	vst v8  }
0x80: {  	v5 =	vmov s17;
	[tilespmem:s29+$0xFFFFFFE0] =	vst v6  }
0x81: {  	v1 =	vld [tilespmem:s31+$0xFFFFFFF0];
	[tilespmem:s29+$0xFFFFFFF0] =	vst v7  }
0x82: {  	v6 =	vld [tilespmem:s31+$0x30];
	[tilespmem:s29+$0x0] =	vst v2  }
0x83: {  	v8 =	vld [tilespmem:s31+$0x10];
	[tilespmem:s29+$0x20] =	vst v3  }
0x84: {  	v7 =	vld [tilespmem:s31+$0xFFFFFFC0];
	[tilespmem:s29+$0xFFFFFFD0] =	vst v4;
	s29 =	smov.u32 s31  }
0x85: {  	v2 =	vld.idx.msk [tilespmem:v5+s14+$0x0], $0xffff  }
0x86: {  	v10 =	vld [tilespmem:s31+$0xFFFFFFE0]  }
0x87: {  	v3 =	vld [tilespmem:s31+$0x20]  }
.Ltmp4:
0x88: {  	v4 =	vld [tilespmem:s31+$0xFFFFFFD0];
	(pc) =	sbr.rel @p2 .LBB2_6-.Ltmp4, $3  }
0x89: {  	v5 =	vld [tilespmem:s31+$0x0];
	_ =	sdelay $0x1  }
0x8a: {  	v7 =	vmul.f32 v7, v2;
	v9 =	vmul.f32 v6, v2  }
0x8b: {  	v8 =	vmul.f32 v8, v2;
	v6 =	vmul.f32 v10, v2  }
0x8c: {  	[tilespmem:s29+$0x30] =	vst v9  }
0x8d: {  	[tilespmem:s29+$0xFFFFFFC0] =	vst v7  }
0x8e: {  	v1 =	vmul.f32 v1, v2;
	[tilespmem:s29+$0x10] =	vst v8  }
0x8f: {  	v3 =	vmul.f32 v3, v2;
	[tilespmem:s29+$0xFFFFFFE0] =	vst v6  }
0x90: {  	v5 =	vmul.f32 v5, v2;
	[tilespmem:s29+$0xFFFFFFF0] =	vst v1  }
0x91: {  	v1 =	vmul.f32 v4, v2;
	[tilespmem:s29+$0x20] =	vst v3  }
0x92: {  	[tilespmem:s29+$0x0] =	vst v5  }
0x93: {  	[tilespmem:s29+$0xFFFFFFD0] =	vst v1  }
0x94: {  	[spmem:s2] =	stream.indirect.scatter.add.f32 [tilespmem:s18], [sflag:$0x7], $0x80, s13, s10, $0xb8;
	[tilespmem:$0x1BF00] =	vst v63  }
0x95: {  	_ =	swait.ge [sflag:s8], $0x4000  }
0x96: {  	s17 =	sadd.s32 @!p1 s6, s28;
	[sflag:s8] =	ssyncset.done $0x0  }
0x97: {  	s30 =	simm.s32 @!p1 $0x100;
	s29 =	simm.s32 @!p1 $0x0;
	[sflag:s8] =	ssyncadd.s32 $0xFFFFC000  }
0x98: {  	[tilespmem:s30], [sflag:$0x3] =	stream.linear.gather @!p1 [hbm4b:s17+s29], $0x80, $0x38;
	[tilespmem:$0x1BF00] =	vst v63  }
0x99: {  	s17 =	sadd.s32 @!p1 s7, s28;
	s28 =	simm.s32 @!p1 $0x200  }
0x9a: {  	[tilespmem:s28], [sflag:$0x3] =	stream.linear.gather @!p1 [hbm4b:s17+s29], $0x80, $0x38;
	[tilespmem:$0x1BF00] =	vst v63  }
0x9b: {  	s17 =	simm.s32 @!p1 $0x5  }
0x9c: {  	_ =	swait.ge @!p1 [sflag:s17], $0x80  }
0x9d: {  	s26 =	sadd.s32 $0x3, s26;
	[sflag:s17] =	ssyncset.done @!p1 $0x0  }
0x9e: {  	s28 =	simm.s32 @!p1 $0x300;
	[sflag:s17] =	ssyncadd.s32 @!p1 $0xFFFFFF80;
	s17 =	simm.s32 @!p1 $0x80  }
0x9f: {  	[tilespmem:s28], [sflag:$0x1] =	stream.indirect.gather @!p1 [hbm4b:s1+s17], $0x80, s29, s17, $0xb8;
	[tilespmem:$0x1BF00] =	vst v63  }
0xa0: {  	s28 =	sshll.u32 @!p1 s26, $0x7  }
0xa1: {  	_ =	swait.ge [sflag:s22], $0x4000;
	s28 =	sadd.s32 @!p1 s9, s28  }
0xa2: {  	[sflag:s22] =	ssyncset.done $0x0;
	s28 =	sshrl.u32 @!p1 s28, $0x3  }
0xa3: {  	s31 =	simm.s32 $0x0;
	[sflag:s22] =	ssyncadd.s32 $0xFFFFC000;
	s28 =	sadd.s32 @!p1 s5, s28  }
0xa4: {  	[tilespmem:s17], [sflag:$0x6] =	stream.linear.gather @!p1 [hbm4b:s28+s29], $0x80, $0x38;
	[tilespmem:$0x1BF00] =	vst v63  }
0xa5: {  	v1 =	vmov s31;
	_ =	swait.ge [sflag:s23], $0x80  }
0xa6: {  	v1 =	vand.u32 $0x7F, v1;
	[sflag:s23] =	ssyncset.done $0x0  }
0xa7: {  	v1 =	vor.u32 $0x80, v1;
	[sflag:s23] =	ssyncadd.s32 $0xFFFFFF80  }
0xa8: {  	v1 =	vbroadcast v1, $0x0;
	_ =	swait.ge [sflag:s23], $0x80  }
0xa9: {  	[sflag:s23] =	ssyncset.done $0x0  }
0xaa: {  	s28 =	simm.s32 $0x4340;
	[sflag:s23] =	ssyncadd.s32 $0xFFFFFF80  }
0xab: {  	v5 =	vld [tilespmem:s28+$0x30]  }
0xac: {  	v8 =	vld [tilespmem:s28+$0x10]  }
0xad: {  	v6 =	vld [tilespmem:s28+$0xFFFFFFC0]  }
0xae: {  	v2 =	vld.idx.msk [tilespmem:v1+s14+$0x0], $0xffff  }
0xaf: {  	v11 =	vld [tilespmem:s28+$0xFFFFFFE0]  }
0xb0: {  	v1 =	vld [tilespmem:s28+$0xFFFFFFF0]  }
0xb1: {  	v3 =	vld [tilespmem:s28+$0x20]  }
0xb2: {  	v4 =	vld [tilespmem:s28+$0xFFFFFFD0]  }
0xb3: {  	v9 =	vmul.f32 v5, v2;
	v5 =	vld [tilespmem:s28+$0x0]  }
0xb4: {  	s31 =	simm.s32 $0x1;
	v7 =	vmul.f32 v6, v2  }
0xb5: {  	v10 =	vmov s31;
	s30 =	simm.s32 $0x2;
	s29 =	simm.s32 $0x4340;
	v6 =	vmul.f32 v11, v2;
	v8 =	vmul.f32 v8, v2  }
.LBB2_8:
0xb6: {  	p2 =	sne.s32 s30, $0x7F  }
0xb7: {  	v10 =	vand.u32 $0x7F, v10;
	v4 =	vmul.f32 v4, v2;
	v3 =	vmul.f32 v3, v2;
	[tilespmem:s28+$0x30] =	vst v9;
	s29 =	sadd.s32 $0x80, s29;
	s17 =	smov.u32 s30;
	s30 =	sadd.s32 $0x1, s30  }
0xb8: {  	v9 =	vor.u32 $0x80, v10;
	[tilespmem:s28+$0xFFFFFFC0] =	vst v7;
	v7 =	vmul.f32 v1, v2;
	v2 =	vmul.f32 v5, v2  }
0xb9: {  	v5 =	vbroadcast v9, $0x0;
	[tilespmem:s28+$0x10] =	vst v8  }
0xba: {  	[tilespmem:s28+$0xFFFFFFE0] =	vst v6  }
0xbb: {  	v1 =	vld [tilespmem:s29+$0xFFFFFFF0];
	[tilespmem:s28+$0xFFFFFFF0] =	vst v7  }
0xbc: {  	v6 =	vld [tilespmem:s29+$0x30];
	[tilespmem:s28+$0x0] =	vst v2  }
0xbd: {  	v8 =	vld [tilespmem:s29+$0x10];
	[tilespmem:s28+$0x20] =	vst v3  }
0xbe: {  	v7 =	vld [tilespmem:s29+$0xFFFFFFC0];
	[tilespmem:s28+$0xFFFFFFD0] =	vst v4;
	s28 =	smov.u32 s29  }
0xbf: {  	v2 =	vld.idx.msk [tilespmem:v5+s14+$0x0], $0xffff  }
0xc0: {  	v11 =	vld [tilespmem:s29+$0xFFFFFFE0]  }
0xc1: {  	v3 =	vld [tilespmem:s29+$0x20]  }
.Ltmp5:
0xc2: {  	v4 =	vld [tilespmem:s29+$0xFFFFFFD0];
	(pc) =	sbr.rel @p2 .LBB2_8-.Ltmp5, $3  }
0xc3: {  	v5 =	vld [tilespmem:s29+$0x0];
	_ =	sdelay $0x1  }
0xc4: {  	v7 =	vmul.f32 v7, v2;
	v9 =	vmul.f32 v6, v2  }
0xc5: {  	v10 =	vmov s17;
	v8 =	vmul.f32 v8, v2;
	v6 =	vmul.f32 v11, v2  }
0xc6: {  	[tilespmem:s28+$0x30] =	vst v9;
	v57 =	vand.u32 $0x7F, v10  }
0xc7: {  	[tilespmem:s28+$0xFFFFFFC0] =	vst v7;
	v7 =	vor.u32 $0x80, v57  }
0xc8: {  	v1 =	vmul.f32 v1, v2;
	[tilespmem:s28+$0x10] =	vst v8;
	v58 =	vbroadcast v7, $0x0  }
0xc9: {  	s17 =	sadd.s32 $0x80, s29;
	[tilespmem:s28+$0xFFFFFFE0] =	vst v6;
	v5 =	vmul.f32 v5, v2  }
0xca: {  	v3 =	vmul.f32 v3, v2;
	v59 =	vld [tilespmem:s17+$0xFFFFFFF0];
	[tilespmem:s28+$0xFFFFFFF0] =	vst v1  }
0xcb: {  	v2 =	vmul.f32 v4, v2;
	v1 =	vld [tilespmem:s17+$0x30];
	[tilespmem:s28+$0x0] =	vst v5  }
0xcc: {  	v60 =	vld [tilespmem:s17+$0x10];
	[tilespmem:s28+$0x20] =	vst v3  }
0xcd: {  	v3 =	vld [tilespmem:s17+$0xFFFFFFC0];
	[tilespmem:s28+$0xFFFFFFD0] =	vst v2  }
0xce: {  	v2 =	vld.idx.msk [tilespmem:v58+s14+$0x0], $0xffff;
	_ =	sdelay $0x2  }
0xcf: {  	v61 =	vld [tilespmem:s17+$0x0]  }
0xd0: {  	v5 =	vld [tilespmem:s17+$0xFFFFFFE0]  }
0xd1: {  	v1 =	vmul.f32 v1, v2  }
0xd2: {  	v8 =	vld [tilespmem:s17+$0x20];
	v3 =	vmul.f32 v3, v2  }
0xd3: {  	v62 =	vld [tilespmem:s17+$0xFFFFFFD0];
	v4 =	vmul.f32 v60, v2;
	[tilespmem:s17+$0x30] =	vst v1  }
0xd4: {  	v63 =	vmul.f32 v61, v2;
	[tilespmem:s17+$0xFFFFFFC0] =	vst v3  }
0xd5: {  	v1 =	vmul.f32 v5, v2;
	[tilespmem:s17+$0x10] =	vst v4  }
0xd6: {  	v3 =	vmul.f32 v59, v2;
	[tilespmem:s17+$0x0] =	vst v63  }
0xd7: {  	[tilespmem:s17+$0xFFFFFFE0] =	vst v1;
	v1 =	vmul.f32 v8, v2  }
0xd8: {  	[tilespmem:s17+$0xFFFFFFF0] =	vst v3;
	v2 =	vmul.f32 v62, v2  }
0xd9: {  	[tilespmem:s17+$0x20] =	vst v1  }
.Ltmp6:
0xda: {  	[tilespmem:s17+$0xFFFFFFD0] =	vst v2;
	(pc) =	sbr.rel @p1 .LBB2_10-.Ltmp6, $4  }
0xdb: {  	[spmem:s2] =	stream.indirect.scatter.add.f32 [tilespmem:s0], [sflag:$0x7], $0x80, s15, s10, $0xb8;
	[tilespmem:$0x1BF00] =	vst v63  }
0xdc: {  	_ =	swait.ge [sflag:s8], $0x4000  }
0xdd: {  	[sflag:s8] =	ssyncset.done $0x0  }
0xde: {  	[sflag:s8] =	ssyncadd.s32 $0xFFFFC000  }
0xdf: {  	s17 =	sshll.u32 s26, $0x7  }
0xe0: {  	s17 =	sadd.s32 s9, s17  }
0xe1: {  	s17 =	sshrl.u32 s17, $0x3  }
0xe2: {  	s31 =	sadd.s32 s6, s17  }
0xe3: {  	[tilespmem:s15], [sflag:$0x4] =	stream.linear.gather [hbm4b:s31+s3], $0x80, $0x38;
	[tilespmem:$0x1BF00] =	vst v63  }
0xe4: {  	s17 =	sadd.s32 s7, s17  }
0xe5: {  	[tilespmem:s16], [sflag:$0x4] =	stream.linear.gather [hbm4b:s17+s3], $0x80, $0x38;
	[tilespmem:$0x1BF00] =	vst v63  }
.Ltmp7:
0xe6: {  	_ = 	snop;
	(pc) =	sbr.rel .LBB2_5-.Ltmp7, $4  }
0xe7: {  	_ =	swait.ge [sflag:s19], $0x80  }
0xe8: {  	[sflag:s19] =	ssyncset.done $0x0  }
0xe9: {  	s25 =	sadd.s32 $0x1, s25;
	[sflag:s19] =	ssyncadd.s32 $0xFFFFFF80  }
0xea: {  	[tilespmem:s0], [sflag:$0x2] =	stream.indirect.gather [hbm4b:s1+s10], $0x80, s10, s10, $0xb8;
	[tilespmem:$0x1BF00] =	vst v63  }
.LBB2_12:
0xeb: {  	s17 =	rddreg [dreg:$0x6]  }
0xec: {  	[tilespmem:s4], [sflag:$0x5] =	stream.linear.gather [hbm4b:s17+s4], $0x80, $0x38;
	[tilespmem:$0x1BF00] =	vst v63  }
0xed: {  	s25 =	rddreg [dreg:$0x7]  }
0xee: {  	[tilespmem:s10], [sflag:$0x6] =	stream.linear.gather [hbm4b:s25+s4], $0x80, $0x38;
	[tilespmem:$0x1BF00] =	vst v63  }
0xef: {  	s26 =	rddreg [dreg:$0x8]  }
0xf0: {  	[tilespmem:s13], [sflag:$0x3] =	stream.linear.gather [hbm4b:s26+s4], $0x80, $0x38;
	[tilespmem:$0x1BF00] =	vst v63  }
0xf1: {  	s28 =	rddreg [dreg:$0x9]  }
0xf2: {  	[tilespmem:s14], [sflag:$0x3] =	stream.linear.gather [hbm4b:s28+s4], $0x80, $0x38;
	[tilespmem:$0x1BF00] =	vst v63  }
0xf3: {  	s29 =	rddreg [dreg:$0xa]  }
0xf4: {  	[tilespmem:s15], [sflag:$0x4] =	stream.linear.gather [hbm4b:s29+s4], $0x80, $0x38;
	[tilespmem:$0x1BF00] =	vst v63  }
0xf5: {  	s30 =	rddreg [dreg:$0xb];
	s31 =	simm.s32 $0x5  }
0xf6: {  	[tilespmem:s16], [sflag:$0x4] =	stream.linear.gather [hbm4b:s30+s4], $0x80, $0x38;
	[tilespmem:$0x1BF00] =	vst v63  }
0xf7: {  	_ =	swait.ge [sflag:s31], $0x80  }
0xf8: {  	[sflag:s31] =	ssyncset.done $0x0  }
0xf9: {  	[sflag:s31] =	ssyncadd.s32 $0xFFFFFF80  }
0xfa: {  	[tilespmem:s18], [sflag:$0x1] =	stream.indirect.gather [hbm4b:s1+s10], $0x80, s4, s10, $0xb8;
	[tilespmem:$0x1BF00] =	vst v63  }
0xfb: {  	_ =	swait.ge [sflag:s19], $0x80  }
0xfc: {  	[sflag:s19] =	ssyncset.done $0x0  }
0xfd: {  	s25 =	simm.s32 $0x0;
	[sflag:s19] =	ssyncadd.s32 $0xFFFFFF80  }
0xfe: {  	[tilespmem:s0], [sflag:$0x2] =	stream.indirect.gather [hbm4b:s1+s10], $0x80, s10, s10, $0xb8;
	[tilespmem:$0x1BF00] =	vst v63  }
.LBB2_13:
0xff: {  	s26 =	sshll.u32 s25, $0x1  }
0x100: {  	p1 =	seq.s32 s25, $0x27;
	s17 =	sadd.s32 $0x2, s26  }
0x101: {  	s17 =	sshll.u32 @!p1 s17, $0x7  }
0x102: {  	_ =	swait.ge [sflag:s20], $0x4000;
	s17 =	sadd.s32 @!p1 s11, s17  }
0x103: {  	[sflag:s20] =	ssyncset.done $0x0;
	s28 =	sshrl.u32 @!p1 s17, $0x3  }
0x104: {  	s29 =	simm.s32 @!p1 $0x0;
	[sflag:s20] =	ssyncadd.s32 $0xFFFFC000;
	s17 =	sadd.s32 @!p1 s5, s28  }
0x105: {  	[tilespmem:s29], [sflag:$0x5] =	stream.linear.gather @!p1 [hbm4b:s17+s29], $0x80, $0x38;
	[tilespmem:$0x1BF00] =	vst v63  }
0x106: {  	_ =	swait.ge [sflag:s21], $0x80  }
0x107: {  	[sflag:s21] =	ssyncset.done $0x0  }
0x108: {  	[sflag:s21] =	ssyncadd.s32 $0xFFFFFF80  }
0x109: {  	_ =	swait.ge [sflag:s21], $0x80  }
0x10a: {  	v1 =	vmov s4;
	[sflag:s21] =	ssyncset.done $0x0  }
0x10b: {  	s29 =	simm.s32 $0x340;
	[sflag:s21] =	ssyncadd.s32 $0xFFFFFF80  }
0x10c: {  	v5 =	vld [tilespmem:s29+$0x30]  }
0x10d: {  	v8 =	vld [tilespmem:s29+$0x10]  }
0x10e: {  	v6 =	vld [tilespmem:s29+$0xFFFFFFC0]  }
0x10f: {  	v2 =	vld.idx.msk [tilespmem:v1+s14+$0x0], $0xffff  }
0x110: {  	v10 =	vld [tilespmem:s29+$0xFFFFFFE0]  }
0x111: {  	v1 =	vld [tilespmem:s29+$0xFFFFFFF0]  }
0x112: {  	v3 =	vld [tilespmem:s29+$0x20]  }
0x113: {  	v4 =	vld [tilespmem:s29+$0xFFFFFFD0]  }
0x114: {  	v9 =	vmul.f32 v5, v2;
	v5 =	vld [tilespmem:s29+$0x0]  }
0x115: {  	v7 =	vmul.f32 v6, v2  }
0x116: {  	s30 =	simm.s32 $0x1;
	s31 =	simm.s32 $0x340;
	v6 =	vmul.f32 v10, v2;
	v8 =	vmul.f32 v8, v2  }
.LBB2_14:
0x117: {  	p2 =	sne.s32 s30, $0x7F  }
0x118: {  	v4 =	vmul.f32 v4, v2;
	v3 =	vmul.f32 v3, v2;
	[tilespmem:s29+$0x30] =	vst v9;
	s31 =	sadd.s32 $0x80, s31;
	s17 =	smov.u32 s30;
	s30 =	sadd.s32 $0x1, s30  }
0x119: {  	[tilespmem:s29+$0xFFFFFFC0] =	vst v7;
	v7 =	vmul.f32 v1, v2;
	v2 =	vmul.f32 v5, v2  }
0x11a: {  	[tilespmem:s29+$0x10] =	vst v8  }
0x11b: {  	v5 =	vmov s17;
	[tilespmem:s29+$0xFFFFFFE0] =	vst v6  }
0x11c: {  	v1 =	vld [tilespmem:s31+$0xFFFFFFF0];
	[tilespmem:s29+$0xFFFFFFF0] =	vst v7  }
0x11d: {  	v6 =	vld [tilespmem:s31+$0x30];
	[tilespmem:s29+$0x0] =	vst v2  }
0x11e: {  	v8 =	vld [tilespmem:s31+$0x10];
	[tilespmem:s29+$0x20] =	vst v3  }
0x11f: {  	v7 =	vld [tilespmem:s31+$0xFFFFFFC0];
	[tilespmem:s29+$0xFFFFFFD0] =	vst v4;
	s29 =	smov.u32 s31  }
0x120: {  	v2 =	vld.idx.msk [tilespmem:v5+s14+$0x0], $0xffff  }
0x121: {  	v10 =	vld [tilespmem:s31+$0xFFFFFFE0]  }
0x122: {  	v3 =	vld [tilespmem:s31+$0x20]  }
.Ltmp8:
0x123: {  	v4 =	vld [tilespmem:s31+$0xFFFFFFD0];
	(pc) =	sbr.rel @p2 .LBB2_14-.Ltmp8, $3  }
0x124: {  	v5 =	vld [tilespmem:s31+$0x0];
	_ =	sdelay $0x1  }
0x125: {  	v7 =	vmul.f32 v7, v2;
	v9 =	vmul.f32 v6, v2  }
0x126: {  	v8 =	vmul.f32 v8, v2;
	v6 =	vmul.f32 v10, v2  }
0x127: {  	[tilespmem:s29+$0x30] =	vst v9  }
0x128: {  	[tilespmem:s29+$0xFFFFFFC0] =	vst v7  }
0x129: {  	v1 =	vmul.f32 v1, v2;
	[tilespmem:s29+$0x10] =	vst v8  }
0x12a: {  	v3 =	vmul.f32 v3, v2;
	[tilespmem:s29+$0xFFFFFFE0] =	vst v6  }
0x12b: {  	v5 =	vmul.f32 v5, v2;
	[tilespmem:s29+$0xFFFFFFF0] =	vst v1  }
0x12c: {  	v1 =	vmul.f32 v4, v2;
	[tilespmem:s29+$0x20] =	vst v3  }
0x12d: {  	[tilespmem:s29+$0x0] =	vst v5  }
0x12e: {  	[tilespmem:s29+$0xFFFFFFD0] =	vst v1  }
0x12f: {  	[spmem:s2] =	stream.indirect.scatter.add.f32 [tilespmem:s18], [sflag:$0x7], $0x80, s13, s10, $0xb8;
	[tilespmem:$0x1BF00] =	vst v63  }
0x130: {  	_ =	swait.ge [sflag:s8], $0x4000  }
0x131: {  	s17 =	sadd.s32 @!p1 s6, s28;
	[sflag:s8] =	ssyncset.done $0x0  }
0x132: {  	s30 =	simm.s32 @!p1 $0x100;
	s29 =	simm.s32 @!p1 $0x0;
	[sflag:s8] =	ssyncadd.s32 $0xFFFFC000  }
0x133: {  	[tilespmem:s30], [sflag:$0x3] =	stream.linear.gather @!p1 [hbm4b:s17+s29], $0x80, $0x38;
	[tilespmem:$0x1BF00] =	vst v63  }
0x134: {  	s17 =	sadd.s32 @!p1 s7, s28;
	s28 =	simm.s32 @!p1 $0x200  }
0x135: {  	[tilespmem:s28], [sflag:$0x3] =	stream.linear.gather @!p1 [hbm4b:s17+s29], $0x80, $0x38;
	[tilespmem:$0x1BF00] =	vst v63  }
0x136: {  	s17 =	simm.s32 @!p1 $0x5  }
0x137: {  	_ =	swait.ge @!p1 [sflag:s17], $0x80  }
0x138: {  	s26 =	sadd.s32 $0x3, s26;
	[sflag:s17] =	ssyncset.done @!p1 $0x0  }
0x139: {  	s28 =	simm.s32 @!p1 $0x300;
	[sflag:s17] =	ssyncadd.s32 @!p1 $0xFFFFFF80;
	s17 =	simm.s32 @!p1 $0x80  }
0x13a: {  	[tilespmem:s28], [sflag:$0x1] =	stream.indirect.gather @!p1 [hbm4b:s1+s17], $0x80, s29, s17, $0xb8;
	[tilespmem:$0x1BF00] =	vst v63  }
0x13b: {  	s28 =	sshll.u32 @!p1 s26, $0x7  }
0x13c: {  	_ =	swait.ge [sflag:s22], $0x4000;
	s28 =	sadd.s32 @!p1 s11, s28  }
0x13d: {  	[sflag:s22] =	ssyncset.done $0x0;
	s28 =	sshrl.u32 @!p1 s28, $0x3  }
0x13e: {  	s31 =	simm.s32 $0x0;
	[sflag:s22] =	ssyncadd.s32 $0xFFFFC000;
	s28 =	sadd.s32 @!p1 s5, s28  }
0x13f: {  	[tilespmem:s17], [sflag:$0x6] =	stream.linear.gather @!p1 [hbm4b:s28+s29], $0x80, $0x38;
	[tilespmem:$0x1BF00] =	vst v63  }
0x140: {  	v1 =	vmov s31;
	_ =	swait.ge [sflag:s23], $0x80  }
0x141: {  	v1 =	vand.u32 $0x7F, v1;
	[sflag:s23] =	ssyncset.done $0x0  }
0x142: {  	v1 =	vor.u32 $0x80, v1;
	[sflag:s23] =	ssyncadd.s32 $0xFFFFFF80  }
0x143: {  	v1 =	vbroadcast v1, $0x0;
	_ =	swait.ge [sflag:s23], $0x80  }
0x144: {  	[sflag:s23] =	ssyncset.done $0x0  }
0x145: {  	s28 =	simm.s32 $0x4340;
	[sflag:s23] =	ssyncadd.s32 $0xFFFFFF80  }
0x146: {  	v5 =	vld [tilespmem:s28+$0x30]  }
0x147: {  	v8 =	vld [tilespmem:s28+$0x10]  }
0x148: {  	v6 =	vld [tilespmem:s28+$0xFFFFFFC0]  }
0x149: {  	v2 =	vld.idx.msk [tilespmem:v1+s14+$0x0], $0xffff  }
0x14a: {  	v11 =	vld [tilespmem:s28+$0xFFFFFFE0]  }
0x14b: {  	v1 =	vld [tilespmem:s28+$0xFFFFFFF0]  }
0x14c: {  	v3 =	vld [tilespmem:s28+$0x20]  }
0x14d: {  	v4 =	vld [tilespmem:s28+$0xFFFFFFD0]  }
0x14e: {  	v9 =	vmul.f32 v5, v2;
	v5 =	vld [tilespmem:s28+$0x0]  }
0x14f: {  	s31 =	simm.s32 $0x1;
	v7 =	vmul.f32 v6, v2  }
0x150: {  	v10 =	vmov s31;
	s30 =	simm.s32 $0x2;
	s29 =	simm.s32 $0x4340;
	v6 =	vmul.f32 v11, v2;
	v8 =	vmul.f32 v8, v2  }
.LBB2_16:
0x151: {  	p2 =	sne.s32 s30, $0x7F  }
0x152: {  	v10 =	vand.u32 $0x7F, v10;
	v4 =	vmul.f32 v4, v2;
	v3 =	vmul.f32 v3, v2;
	[tilespmem:s28+$0x30] =	vst v9;
	s29 =	sadd.s32 $0x80, s29;
	s17 =	smov.u32 s30;
	s30 =	sadd.s32 $0x1, s30  }
0x153: {  	v9 =	vor.u32 $0x80, v10;
	[tilespmem:s28+$0xFFFFFFC0] =	vst v7;
	v7 =	vmul.f32 v1, v2;
	v2 =	vmul.f32 v5, v2  }
0x154: {  	v5 =	vbroadcast v9, $0x0;
	[tilespmem:s28+$0x10] =	vst v8  }
0x155: {  	[tilespmem:s28+$0xFFFFFFE0] =	vst v6  }
0x156: {  	v1 =	vld [tilespmem:s29+$0xFFFFFFF0];
	[tilespmem:s28+$0xFFFFFFF0] =	vst v7  }
0x157: {  	v6 =	vld [tilespmem:s29+$0x30];
	[tilespmem:s28+$0x0] =	vst v2  }
0x158: {  	v8 =	vld [tilespmem:s29+$0x10];
	[tilespmem:s28+$0x20] =	vst v3  }
0x159: {  	v7 =	vld [tilespmem:s29+$0xFFFFFFC0];
	[tilespmem:s28+$0xFFFFFFD0] =	vst v4;
	s28 =	smov.u32 s29  }
0x15a: {  	v2 =	vld.idx.msk [tilespmem:v5+s14+$0x0], $0xffff  }
0x15b: {  	v11 =	vld [tilespmem:s29+$0xFFFFFFE0]  }
0x15c: {  	v3 =	vld [tilespmem:s29+$0x20]  }
.Ltmp9:
0x15d: {  	v4 =	vld [tilespmem:s29+$0xFFFFFFD0];
	(pc) =	sbr.rel @p2 .LBB2_16-.Ltmp9, $3  }
0x15e: {  	v5 =	vld [tilespmem:s29+$0x0];
	_ =	sdelay $0x1  }
0x15f: {  	v7 =	vmul.f32 v7, v2;
	v9 =	vmul.f32 v6, v2  }
0x160: {  	v10 =	vmov s17;
	v8 =	vmul.f32 v8, v2;
	v6 =	vmul.f32 v11, v2  }
0x161: {  	[tilespmem:s28+$0x30] =	vst v9;
	v57 =	vand.u32 $0x7F, v10  }
0x162: {  	[tilespmem:s28+$0xFFFFFFC0] =	vst v7;
	v7 =	vor.u32 $0x80, v57  }
0x163: {  	v1 =	vmul.f32 v1, v2;
	[tilespmem:s28+$0x10] =	vst v8;
	v58 =	vbroadcast v7, $0x0  }
0x164: {  	s17 =	sadd.s32 $0x80, s29;
	[tilespmem:s28+$0xFFFFFFE0] =	vst v6;
	v5 =	vmul.f32 v5, v2  }
0x165: {  	v3 =	vmul.f32 v3, v2;
	v59 =	vld [tilespmem:s17+$0xFFFFFFF0];
	[tilespmem:s28+$0xFFFFFFF0] =	vst v1  }
0x166: {  	v2 =	vmul.f32 v4, v2;
	v1 =	vld [tilespmem:s17+$0x30];
	[tilespmem:s28+$0x0] =	vst v5  }
0x167: {  	v60 =	vld [tilespmem:s17+$0x10];
	[tilespmem:s28+$0x20] =	vst v3  }
0x168: {  	v3 =	vld [tilespmem:s17+$0xFFFFFFC0];
	[tilespmem:s28+$0xFFFFFFD0] =	vst v2  }
0x169: {  	v2 =	vld.idx.msk [tilespmem:v58+s14+$0x0], $0xffff;
	_ =	sdelay $0x2  }
0x16a: {  	v61 =	vld [tilespmem:s17+$0x0]  }
0x16b: {  	v5 =	vld [tilespmem:s17+$0xFFFFFFE0]  }
0x16c: {  	v1 =	vmul.f32 v1, v2  }
0x16d: {  	v8 =	vld [tilespmem:s17+$0x20];
	v3 =	vmul.f32 v3, v2  }
0x16e: {  	v62 =	vld [tilespmem:s17+$0xFFFFFFD0];
	v4 =	vmul.f32 v60, v2;
	[tilespmem:s17+$0x30] =	vst v1  }
0x16f: {  	v63 =	vmul.f32 v61, v2;
	[tilespmem:s17+$0xFFFFFFC0] =	vst v3  }
0x170: {  	v1 =	vmul.f32 v5, v2;
	[tilespmem:s17+$0x10] =	vst v4  }
0x171: {  	v3 =	vmul.f32 v59, v2;
	[tilespmem:s17+$0x0] =	vst v63  }
0x172: {  	[tilespmem:s17+$0xFFFFFFE0] =	vst v1;
	v1 =	vmul.f32 v8, v2  }
0x173: {  	[tilespmem:s17+$0xFFFFFFF0] =	vst v3;
	v2 =	vmul.f32 v62, v2  }
0x174: {  	[tilespmem:s17+$0x20] =	vst v1  }
.Ltmp10:
0x175: {  	[tilespmem:s17+$0xFFFFFFD0] =	vst v2;
	(pc) =	sbr.rel @p1 .LBB2_18-.Ltmp10, $4  }
0x176: {  	[spmem:s2] =	stream.indirect.scatter.add.f32 [tilespmem:s0], [sflag:$0x7], $0x80, s15, s10, $0xb8;
	[tilespmem:$0x1BF00] =	vst v63  }
0x177: {  	_ =	swait.ge [sflag:s8], $0x4000  }
0x178: {  	[sflag:s8] =	ssyncset.done $0x0  }
0x179: {  	[sflag:s8] =	ssyncadd.s32 $0xFFFFC000  }
0x17a: {  	s17 =	sshll.u32 s26, $0x7  }
0x17b: {  	s17 =	sadd.s32 s11, s17  }
0x17c: {  	s17 =	sshrl.u32 s17, $0x3  }
0x17d: {  	s31 =	sadd.s32 s6, s17  }
0x17e: {  	[tilespmem:s15], [sflag:$0x4] =	stream.linear.gather [hbm4b:s31+s3], $0x80, $0x38;
	[tilespmem:$0x1BF00] =	vst v63  }
0x17f: {  	s17 =	sadd.s32 s7, s17  }
0x180: {  	[tilespmem:s16], [sflag:$0x4] =	stream.linear.gather [hbm4b:s17+s3], $0x80, $0x38;
	[tilespmem:$0x1BF00] =	vst v63  }
.Ltmp11:
0x181: {  	_ = 	snop;
	(pc) =	sbr.rel .LBB2_13-.Ltmp11, $4  }
0x182: {  	_ =	swait.ge [sflag:s19], $0x80  }
0x183: {  	[sflag:s19] =	ssyncset.done $0x0  }
0x184: {  	s25 =	sadd.s32 $0x1, s25;
	[sflag:s19] =	ssyncadd.s32 $0xFFFFFF80  }
0x185: {  	[tilespmem:s0], [sflag:$0x2] =	stream.indirect.gather [hbm4b:s1+s10], $0x80, s10, s10, $0xb8;
	[tilespmem:$0x1BF00] =	vst v63  }
.LBB2_10:
.Ltmp12:
0x186: {  	(pc) =	sbr.rel .LBB2_19-.Ltmp12, $2  }
0x187: {  	_ =	sdelay $0x2  }
0x188: {  	s4 =	rddreg [dreg:$0x4]  }
.LBB2_20:
0x189: {  	_ =	sfence.sel $0x180000  }
0x18a: {  	[bflag:$0x0] =	sbarrier.arrive $0xFFFF  }
0x18b: {  	_ =	strace $0x90000047  }
0x18c: {  	s0 =	stileid.u32;
	[bflag:$0x2] =	sbarrier.arrive $0xFFFF  }
0x18d: {  	p0 =	sne.s32 s0, $0x0;
	s0 =	rddreg [dreg:$0x3]  }
0x18e: {  	s0 =	sadd.s32 @!p0 $0x100000, s0  }
0x18f: {  	[sflag:s0] =	ssyncadd.tile.s32 @!p0 $0x1;
	_ =	shalt  }
.Lfunc_end2:
_tile_overlayer_lowered:
.L_overlay_start_2:
0x190: {  	(tag) =	ssettag $0x2  }
0x191: {  	s0 =	rddreg [dreg:$0x0];
	s2 =	stileid.u32  }
0x192: {  	s1 =	rddreg [dreg:$0x1];
	p0 =	sne.s32 s2, $0x0  }
0x193: {  	s3 =	rddreg [dreg:$0x2];
	[bflag:$0x3] =	sbarrier.arrive $0xFFFF;
	s2 =	simm.s32 @!p0 $0x1C07  }
0x194: {  	[timem:s3], [sflag:s2] =	dma.local @!p0 [hbm:s0], s1  }
0x195: {  	s0 =	simm.s32 @!p0 $0x7  }
0x196: {  	_ =	swait.ge @!p0 [sflag:s0], s1  }
0x197: {  	s1 =	ssub.s32 @!p0 $0x0, s1;
	[sflag:s0] =	ssyncset.done @!p0 $0x0  }
0x198: {  	[sflag:s0] =	ssyncadd.s32 @!p0 s1  }
0x199: {  	[bflag:$0x3] =	sbarrier.arrive $0xFFFF  }
0x19a: {  	_ =	shalt  }

</sc_bundles>
